<compile_context>
chip_gen: v7x
topology: tpu7x:2x2x1
jax: 0.10.2.dev20260603
libtpu: 0.0.44.dev20260713+nightly
codegen_flags: <defaults>
</compile_context>

<pallas_src>
import functools

import jax
import jax.numpy as jnp
from jax import lax
from jax.experimental import pallas as pl
from jax.experimental.pallas import tpu as pltpu
from jax.experimental.pallas import tpu_sc as plsc

EMB = 32
NC, NS = 2, 16
NW = NC * NS
B = 16384
BPW = B // NW
CH = 128
NCH = BPW // CH
HALF = EMB // 2

_mesh = plsc.VectorSubcoreMesh(core_axis_name="c", subcore_axis_name="s")


@functools.partial(
    pl.kernel,
    out_type=jax.ShapeDtypeStruct((B, EMB), jnp.float32),
    mesh=_mesh,
    compiler_params=pltpu.CompilerParams(needs_layout_passes=False,
                                         use_tc_tiling_on_sc=False),
    scratch_types=[
        pltpu.VMEM((NCH, CH), jnp.int32),
        pltpu.VMEM((NCH, CH), jnp.int32),
        pltpu.VMEM((NCH, CH), jnp.int32),
        pltpu.VMEM((BPW, EMB), jnp.float32),
        pltpu.VMEM((BPW, EMB), jnp.float32),
        pltpu.VMEM((BPW, EMB), jnp.float32),
        pltpu.VMEM((BPW, EMB), jnp.float32),
        pltpu.VMEM((BPW, EMB), jnp.float32),
        pltpu.SemaphoreType.DMA,
    ],
)
def _transh_sc(head_hbm, rel_hbm, tail_hbm, ent_hbm, relg_hbm, hyper_hbm,
               out_hbm, hidx, ridx, tidx, hrows, trows, yrows, grows, orows,
               sem):
    wid = lax.axis_index("s") * NC + lax.axis_index("c")
    base = wid * BPW
    cbase = wid * NCH

    pltpu.sync_copy(head_hbm.at[pl.ds(cbase, NCH)], hidx)
    pltpu.sync_copy(rel_hbm.at[pl.ds(cbase, NCH)], ridx)
    pltpu.sync_copy(tail_hbm.at[pl.ds(cbase, NCH)], tidx)

    copies = []
    for c in range(NCH):
        dst = pl.ds(c * CH, CH)
        copies.append(pltpu.async_copy(ent_hbm.at[hidx.at[c]],
                                       hrows.at[dst], sem))
        copies.append(pltpu.async_copy(ent_hbm.at[tidx.at[c]],
                                       trows.at[dst], sem))
        copies.append(pltpu.async_copy(hyper_hbm.at[ridx.at[c]],
                                       yrows.at[dst], sem))
        copies.append(pltpu.async_copy(relg_hbm.at[ridx.at[c]],
                                       grows.at[dst], sem))
    for cp in copies:
        cp.wait()

    lanes = lax.broadcasted_iota(jnp.int32, (HALF,), 0)

    def grp_body(grp, carry):
        rows = grp * HALF + lanes
        acc = jnp.zeros((HALF,), jnp.float32)
        for j in range(EMB):
            jv = jnp.full((HALF,), j, jnp.int32)
            h = plsc.load_gather(hrows, [rows, jv])
            t = plsc.load_gather(trows, [rows, jv])
            y = plsc.load_gather(yrows, [rows, jv])
            acc = acc + (h - t) * y
        for j in range(EMB):
            jv = jnp.full((HALF,), j, jnp.int32)
            h = plsc.load_gather(hrows, [rows, jv])
            t = plsc.load_gather(trows, [rows, jv])
            y = plsc.load_gather(yrows, [rows, jv])
            g = plsc.load_gather(grows, [rows, jv])
            plsc.store_scatter(orows, [rows, jv], (h - t) + g - y * acc)
        return carry

    lax.fori_loop(0, BPW // HALF, grp_body, 0)

    pltpu.sync_copy(orows, out_hbm.at[pl.ds(base, BPW)])


def kernel(in_triple, ent_emb, rel_emb, rel_hyper):
    head = in_triple[:, 0].astype(jnp.int32).reshape(NW * NCH, CH)
    rel = in_triple[:, 1].astype(jnp.int32).reshape(NW * NCH, CH)
    tail = in_triple[:, 2].astype(jnp.int32).reshape(NW * NCH, CH)
    return _transh_sc(head, rel, tail, ent_emb, rel_emb, rel_hyper)

# --- scband reference (transcript-rebuilt; emitter-appended) ---
"""Pipeline reference for scband-trans-h-7653631721899 (READ-ONLY COPY).

The authoritative reference and input builder live on the scoring server;
editing this copy changes nothing except your own understanding.
"""

import jax, jax.numpy as jnp
import numpy as np

ENT_SIZE = 1000000
REL_SIZE = 1000000
EMB_DIM = 32
BATCH = 16384


def setup_inputs(seed: int = 0) -> dict:
    key = jax.random.key(seed)
    k1, k2, k3, k4 = jax.random.split(key, 4)
    in_triple = jax.random.randint(k1, (BATCH, 3), 0, ENT_SIZE, dtype=jnp.int64 if jax.config.jax_enable_x64 else jnp.int32)
    ent_emb = jax.random.normal(k2, (ENT_SIZE, EMB_DIM), dtype=jnp.float32)
    rel_emb = jax.random.normal(k3, (REL_SIZE, EMB_DIM), dtype=jnp.float32)
    rel_hyper = jax.random.normal(k4, (REL_SIZE, EMB_DIM), dtype=jnp.float32)
    return {"in_triple": in_triple, "ent_emb": ent_emb, "rel_emb": rel_emb, "rel_hyper": rel_hyper}


def reference(in_triple, ent_emb, rel_emb, rel_hyper):
    head = in_triple[:, 0]
    relation = in_triple[:, 1]
    tail = in_triple[:, 2]
    head_emb = jnp.take(ent_emb, head, axis=0)
    rel_hyper_emb = jnp.take(rel_hyper, relation, axis=0)
    rel_emb_g = jnp.take(rel_emb, relation, axis=0)
    tail_emb = jnp.take(ent_emb, tail, axis=0)
    head_emb = head_emb - rel_hyper_emb * jnp.sum(head_emb * rel_hyper_emb, axis=1, keepdims=True)
    tail_emb = tail_emb - rel_hyper_emb * jnp.sum(tail_emb * rel_hyper_emb, axis=1, keepdims=True)
    return head_emb + rel_emb_g - tail_emb

if __name__ == "__main__":
    import jax
    _d = setup_inputs()
    print(jax.jit(kernel)(*tuple(_d.values())))

</pallas_src>

<mosaic_0001>
#map = affine_map<(d0, d1) -> (0, 0)>
module attributes {stable_mosaic.version = 14 : i64} {
  func.func @_transh_sc(%arg0: i32, %arg1: i32, %arg2: memref<128x128xi32, #tpu.memory_space<hbm>>, %arg3: memref<128x128xi32, #tpu.memory_space<hbm>>, %arg4: memref<128x128xi32, #tpu.memory_space<hbm>>, %arg5: memref<1000000x32xf32, #tpu.memory_space<hbm>>, %arg6: memref<1000000x32xf32, #tpu.memory_space<hbm>>, %arg7: memref<1000000x32xf32, #tpu.memory_space<hbm>>, %arg8: memref<16384x32xf32, #tpu.memory_space<hbm>>, %arg9: memref<4x128xi32, #tpu.memory_space<vmem>>, %arg10: memref<4x128xi32, #tpu.memory_space<vmem>>, %arg11: memref<4x128xi32, #tpu.memory_space<vmem>>, %arg12: memref<512x32xf32, #tpu.memory_space<vmem>>, %arg13: memref<512x32xf32, #tpu.memory_space<vmem>>, %arg14: memref<512x32xf32, #tpu.memory_space<vmem>>, %arg15: memref<512x32xf32, #tpu.memory_space<vmem>>, %arg16: memref<512x32xf32, #tpu.memory_space<vmem>>, %arg17: memref<!tpu.dma_semaphore, #tpu.memory_space<semaphore_mem>>) attributes {dimension_semantics = [#tpu.dimension_semantics<core_parallel>, #tpu.dimension_semantics<subcore_parallel>], iteration_bounds = array<i64: 2, 16>, scalar_prefetch = 0 : i64, scratch_operands = 9 : i64, tpu.core_type = #tpu.core_type<sc_vector_subcore>, window_params = [{transform_indices = #map}, {transform_indices = #map}, {transform_indices = #map}, {transform_indices = #map}, {transform_indices = #map}, {transform_indices = #map}, {transform_indices = #map}]} {
    %mul3A = arith.constant 2 : i32
    %mul3A_0 = arith.muli %arg1, %mul3A : i32
    %add3A = arith.addi %mul3A_0, %arg0 : i32
    %mul3A_1 = arith.constant 512 : i32
    %mul3A_2 = arith.muli %add3A, %mul3A_1 : i32
    %mul3A_3 = arith.constant 4 : i32
    %mul3A_4 = arith.muli %add3A, %mul3A_3 : i32
    "tpu.region"() ({
      %run_scoped3A = tpu.sem_alloc : memref<!tpu.dma_semaphore, #tpu.memory_space<semaphore_mem>>
      %dma_start3A_328 = arith.constant 0 : i32
      %dma_start3A_329 = tpu.memref_slice %arg2[%mul3A_4, %dma_start3A_328] : memref<128x128xi32, #tpu.memory_space<hbm>> -> memref<4x128xi32, #tpu.memory_space<hbm>>
      %dma_start3A_330 = arith.constant 0 : i32
      %dma_start3A_331 = tpu.memref_slice %arg2[%mul3A_4, %dma_start3A_330] : memref<128x128xi32, #tpu.memory_space<hbm>> -> memref<4x128xi32, #tpu.memory_space<hbm>>
      tpu.enqueue_dma source(%dma_start3A_331 : memref<4x128xi32, #tpu.memory_space<hbm>>) target(%arg9 : memref<4x128xi32, #tpu.memory_space<vmem>>) target_semaphore(%run_scoped3A : memref<!tpu.dma_semaphore, #tpu.memory_space<semaphore_mem>>)
      %dma_wait3A_332 = arith.constant 0 : i32
      %dma_wait3A_333 = tpu.memref_slice %arg2[%mul3A_4, %dma_wait3A_332] : memref<128x128xi32, #tpu.memory_space<hbm>> -> memref<4x128xi32, #tpu.memory_space<hbm>>
      %dma_wait3A_334 = arith.constant 0 : i32
      %dma_wait3A_335 = tpu.memref_slice %arg2[%mul3A_4, %dma_wait3A_334] : memref<128x128xi32, #tpu.memory_space<hbm>> -> memref<4x128xi32, #tpu.memory_space<hbm>>
      tpu.wait_dma2 semaphore(%run_scoped3A : memref<!tpu.dma_semaphore, #tpu.memory_space<semaphore_mem>>) src(%dma_wait3A_335 : memref<4x128xi32, #tpu.memory_space<hbm>>) dst(%arg9 : memref<4x128xi32, #tpu.memory_space<vmem>>)
      tpu.yield
    }) : () -> ()
    "tpu.region"() ({
      %run_scoped3A = tpu.sem_alloc : memref<!tpu.dma_semaphore, #tpu.memory_space<semaphore_mem>>
      %dma_start3A_328 = arith.constant 0 : i32
      %dma_start3A_329 = tpu.memref_slice %arg3[%mul3A_4, %dma_start3A_328] : memref<128x128xi32, #tpu.memory_space<hbm>> -> memref<4x128xi32, #tpu.memory_space<hbm>>
      %dma_start3A_330 = arith.constant 0 : i32
      %dma_start3A_331 = tpu.memref_slice %arg3[%mul3A_4, %dma_start3A_330] : memref<128x128xi32, #tpu.memory_space<hbm>> -> memref<4x128xi32, #tpu.memory_space<hbm>>
      tpu.enqueue_dma source(%dma_start3A_331 : memref<4x128xi32, #tpu.memory_space<hbm>>) target(%arg10 : memref<4x128xi32, #tpu.memory_space<vmem>>) target_semaphore(%run_scoped3A : memref<!tpu.dma_semaphore, #tpu.memory_space<semaphore_mem>>)
      %dma_wait3A_332 = arith.constant 0 : i32
      %dma_wait3A_333 = tpu.memref_slice %arg3[%mul3A_4, %dma_wait3A_332] : memref<128x128xi32, #tpu.memory_space<hbm>> -> memref<4x128xi32, #tpu.memory_space<hbm>>
      %dma_wait3A_334 = arith.constant 0 : i32
      %dma_wait3A_335 = tpu.memref_slice %arg3[%mul3A_4, %dma_wait3A_334] : memref<128x128xi32, #tpu.memory_space<hbm>> -> memref<4x128xi32, #tpu.memory_space<hbm>>
      tpu.wait_dma2 semaphore(%run_scoped3A : memref<!tpu.dma_semaphore, #tpu.memory_space<semaphore_mem>>) src(%dma_wait3A_335 : memref<4x128xi32, #tpu.memory_space<hbm>>) dst(%arg10 : memref<4x128xi32, #tpu.memory_space<vmem>>)
      tpu.yield
    }) : () -> ()
    "tpu.region"() ({
      %run_scoped3A = tpu.sem_alloc : memref<!tpu.dma_semaphore, #tpu.memory_space<semaphore_mem>>
      %dma_start3A_328 = arith.constant 0 : i32
      %dma_start3A_329 = tpu.memref_slice %arg4[%mul3A_4, %dma_start3A_328] : memref<128x128xi32, #tpu.memory_space<hbm>> -> memref<4x128xi32, #tpu.memory_space<hbm>>
      %dma_start3A_330 = arith.constant 0 : i32
      %dma_start3A_331 = tpu.memref_slice %arg4[%mul3A_4, %dma_start3A_330] : memref<128x128xi32, #tpu.memory_space<hbm>> -> memref<4x128xi32, #tpu.memory_space<hbm>>
      tpu.enqueue_dma source(%dma_start3A_331 : memref<4x128xi32, #tpu.memory_space<hbm>>) target(%arg11 : memref<4x128xi32, #tpu.memory_space<vmem>>) target_semaphore(%run_scoped3A : memref<!tpu.dma_semaphore, #tpu.memory_space<semaphore_mem>>)
      %dma_wait3A_332 = arith.constant 0 : i32
      %dma_wait3A_333 = tpu.memref_slice %arg4[%mul3A_4, %dma_wait3A_332] : memref<128x128xi32, #tpu.memory_space<hbm>> -> memref<4x128xi32, #tpu.memory_space<hbm>>
      %dma_wait3A_334 = arith.constant 0 : i32
      %dma_wait3A_335 = tpu.memref_slice %arg4[%mul3A_4, %dma_wait3A_334] : memref<128x128xi32, #tpu.memory_space<hbm>> -> memref<4x128xi32, #tpu.memory_space<hbm>>
      tpu.wait_dma2 semaphore(%run_scoped3A : memref<!tpu.dma_semaphore, #tpu.memory_space<semaphore_mem>>) src(%dma_wait3A_335 : memref<4x128xi32, #tpu.memory_space<hbm>>) dst(%arg11 : memref<4x128xi32, #tpu.memory_space<vmem>>)
      tpu.yield
    }) : () -> ()
    %dma_start3A = arith.constant 0 : i32
    %dma_start3A_5 = arith.constant 0 : i32
    %dma_start3A_6 = arith.constant 0 : i32
    %dma_start3A_7 = tpu.memref_slice %arg12[%dma_start3A_5, %dma_start3A_6] : memref<512x32xf32, #tpu.memory_space<vmem>> -> memref<128x32xf32, #tpu.memory_space<vmem>>
    %dma_start3A_8 = arith.constant 0 : i32
    %dma_start3A_9 = tpu.memref_slice %arg9[%dma_start3A, %dma_start3A_8] : memref<4x128xi32, #tpu.memory_space<vmem>> -> memref<1x128xi32, #tpu.memory_space<vmem>>
    %dma_start3A_10 = tpu.memref_squeeze %dma_start3A_9 : memref<1x128xi32, #tpu.memory_space<vmem>> -> memref<128xi32, #tpu.memory_space<vmem>>
    %dma_start3A_11 = arith.constant 0 : i32
    %dma_start3A_12 = arith.constant 0 : i32
    %dma_start3A_13 = tpu.memref_slice %arg5[%dma_start3A_11, %dma_start3A_12] : memref<1000000x32xf32, #tpu.memory_space<hbm>> -> memref<1000000x32xf32, #tpu.memory_space<hbm>>
    tpu.enqueue_indirect_dma source(%dma_start3A_13 : memref<1000000x32xf32, #tpu.memory_space<hbm>>) target(%dma_start3A_7 : memref<128x32xf32, #tpu.memory_space<vmem>>) offsets(%dma_start3A_10 : memref<128xi32, #tpu.memory_space<vmem>>) semaphore(%arg17 : memref<!tpu.dma_semaphore, #tpu.memory_space<semaphore_mem>>)
    %dma_start3A_14 = arith.constant 0 : i32
    %dma_start3A_15 = arith.constant 0 : i32
    %dma_start3A_16 = arith.constant 0 : i32
    %dma_start3A_17 = tpu.memref_slice %arg13[%dma_start3A_15, %dma_start3A_16] : memref<512x32xf32, #tpu.memory_space<vmem>> -> memref<128x32xf32, #tpu.memory_space<vmem>>
    %dma_start3A_18 = arith.constant 0 : i32
    %dma_start3A_19 = tpu.memref_slice %arg11[%dma_start3A_14, %dma_start3A_18] : memref<4x128xi32, #tpu.memory_space<vmem>> -> memref<1x128xi32, #tpu.memory_space<vmem>>
    %dma_start3A_20 = tpu.memref_squeeze %dma_start3A_19 : memref<1x128xi32, #tpu.memory_space<vmem>> -> memref<128xi32, #tpu.memory_space<vmem>>
    %dma_start3A_21 = arith.constant 0 : i32
    %dma_start3A_22 = arith.constant 0 : i32
    %dma_start3A_23 = tpu.memref_slice %arg5[%dma_start3A_21, %dma_start3A_22] : memref<1000000x32xf32, #tpu.memory_space<hbm>> -> memref<1000000x32xf32, #tpu.memory_space<hbm>>
    tpu.enqueue_indirect_dma source(%dma_start3A_23 : memref<1000000x32xf32, #tpu.memory_space<hbm>>) target(%dma_start3A_17 : memref<128x32xf32, #tpu.memory_space<vmem>>) offsets(%dma_start3A_20 : memref<128xi32, #tpu.memory_space<vmem>>) semaphore(%arg17 : memref<!tpu.dma_semaphore, #tpu.memory_space<semaphore_mem>>)
    %dma_start3A_24 = arith.constant 0 : i32
    %dma_start3A_25 = arith.constant 0 : i32
    %dma_start3A_26 = arith.constant 0 : i32
    %dma_start3A_27 = tpu.memref_slice %arg14[%dma_start3A_25, %dma_start3A_26] : memref<512x32xf32, #tpu.memory_space<vmem>> -> memref<128x32xf32, #tpu.memory_space<vmem>>
    %dma_start3A_28 = arith.constant 0 : i32
    %dma_start3A_29 = tpu.memref_slice %arg10[%dma_start3A_24, %dma_start3A_28] : memref<4x128xi32, #tpu.memory_space<vmem>> -> memref<1x128xi32, #tpu.memory_space<vmem>>
    %dma_start3A_30 = tpu.memref_squeeze %dma_start3A_29 : memref<1x128xi32, #tpu.memory_space<vmem>> -> memref<128xi32, #tpu.memory_space<vmem>>
    %dma_start3A_31 = arith.constant 0 : i32
    %dma_start3A_32 = arith.constant 0 : i32
    %dma_start3A_33 = tpu.memref_slice %arg7[%dma_start3A_31, %dma_start3A_32] : memref<1000000x32xf32, #tpu.memory_space<hbm>> -> memref<1000000x32xf32, #tpu.memory_space<hbm>>
    tpu.enqueue_indirect_dma source(%dma_start3A_33 : memref<1000000x32xf32, #tpu.memory_space<hbm>>) target(%dma_start3A_27 : memref<128x32xf32, #tpu.memory_space<vmem>>) offsets(%dma_start3A_30 : memref<128xi32, #tpu.memory_space<vmem>>) semaphore(%arg17 : memref<!tpu.dma_semaphore, #tpu.memory_space<semaphore_mem>>)
    %dma_start3A_34 = arith.constant 0 : i32
    %dma_start3A_35 = arith.constant 0 : i32
    %dma_start3A_36 = arith.constant 0 : i32
    %dma_start3A_37 = tpu.memref_slice %arg15[%dma_start3A_35, %dma_start3A_36] : memref<512x32xf32, #tpu.memory_space<vmem>> -> memref<128x32xf32, #tpu.memory_space<vmem>>
    %dma_start3A_38 = arith.constant 0 : i32
    %dma_start3A_39 = tpu.memref_slice %arg10[%dma_start3A_34, %dma_start3A_38] : memref<4x128xi32, #tpu.memory_space<vmem>> -> memref<1x128xi32, #tpu.memory_space<vmem>>
    %dma_start3A_40 = tpu.memref_squeeze %dma_start3A_39 : memref<1x128xi32, #tpu.memory_space<vmem>> -> memref<128xi32, #tpu.memory_space<vmem>>
    %dma_start3A_41 = arith.constant 0 : i32
    %dma_start3A_42 = arith.constant 0 : i32
    %dma_start3A_43 = tpu.memref_slice %arg6[%dma_start3A_41, %dma_start3A_42] : memref<1000000x32xf32, #tpu.memory_space<hbm>> -> memref<1000000x32xf32, #tpu.memory_space<hbm>>
    tpu.enqueue_indirect_dma source(%dma_start3A_43 : memref<1000000x32xf32, #tpu.memory_space<hbm>>) target(%dma_start3A_37 : memref<128x32xf32, #tpu.memory_space<vmem>>) offsets(%dma_start3A_40 : memref<128xi32, #tpu.memory_space<vmem>>) semaphore(%arg17 : memref<!tpu.dma_semaphore, #tpu.memory_space<semaphore_mem>>)
    %dma_start3A_44 = arith.constant 1 : i32
    %dma_start3A_45 = arith.constant 128 : i32
    %dma_start3A_46 = arith.constant 0 : i32
    %dma_start3A_47 = tpu.memref_slice %arg12[%dma_start3A_45, %dma_start3A_46] : memref<512x32xf32, #tpu.memory_space<vmem>> -> memref<128x32xf32, #tpu.memory_space<vmem>>
    %dma_start3A_48 = arith.constant 0 : i32
    %dma_start3A_49 = tpu.memref_slice %arg9[%dma_start3A_44, %dma_start3A_48] : memref<4x128xi32, #tpu.memory_space<vmem>> -> memref<1x128xi32, #tpu.memory_space<vmem>>
    %dma_start3A_50 = tpu.memref_squeeze %dma_start3A_49 : memref<1x128xi32, #tpu.memory_space<vmem>> -> memref<128xi32, #tpu.memory_space<vmem>>
    %dma_start3A_51 = arith.constant 0 : i32
    %dma_start3A_52 = arith.constant 0 : i32
    %dma_start3A_53 = tpu.memref_slice %arg5[%dma_start3A_51, %dma_start3A_52] : memref<1000000x32xf32, #tpu.memory_space<hbm>> -> memref<1000000x32xf32, #tpu.memory_space<hbm>>
    tpu.enqueue_indirect_dma source(%dma_start3A_53 : memref<1000000x32xf32, #tpu.memory_space<hbm>>) target(%dma_start3A_47 : memref<128x32xf32, #tpu.memory_space<vmem>>) offsets(%dma_start3A_50 : memref<128xi32, #tpu.memory_space<vmem>>) semaphore(%arg17 : memref<!tpu.dma_semaphore, #tpu.memory_space<semaphore_mem>>)
    %dma_start3A_54 = arith.constant 1 : i32
    %dma_start3A_55 = arith.constant 128 : i32
    %dma_start3A_56 = arith.constant 0 : i32
    %dma_start3A_57 = tpu.memref_slice %arg13[%dma_start3A_55, %dma_start3A_56] : memref<512x32xf32, #tpu.memory_space<vmem>> -> memref<128x32xf32, #tpu.memory_space<vmem>>
    %dma_start3A_58 = arith.constant 0 : i32
    %dma_start3A_59 = tpu.memref_slice %arg11[%dma_start3A_54, %dma_start3A_58] : memref<4x128xi32, #tpu.memory_space<vmem>> -> memref<1x128xi32, #tpu.memory_space<vmem>>
    %dma_start3A_60 = tpu.memref_squeeze %dma_start3A_59 : memref<1x128xi32, #tpu.memory_space<vmem>> -> memref<128xi32, #tpu.memory_space<vmem>>
    %dma_start3A_61 = arith.constant 0 : i32
    %dma_start3A_62 = arith.constant 0 : i32
    %dma_start3A_63 = tpu.memref_slice %arg5[%dma_start3A_61, %dma_start3A_62] : memref<1000000x32xf32, #tpu.memory_space<hbm>> -> memref<1000000x32xf32, #tpu.memory_space<hbm>>
    tpu.enqueue_indirect_dma source(%dma_start3A_63 : memref<1000000x32xf32, #tpu.memory_space<hbm>>) target(%dma_start3A_57 : memref<128x32xf32, #tpu.memory_space<vmem>>) offsets(%dma_start3A_60 : memref<128xi32, #tpu.memory_space<vmem>>) semaphore(%arg17 : memref<!tpu.dma_semaphore, #tpu.memory_space<semaphore_mem>>)
    %dma_start3A_64 = arith.constant 1 : i32
    %dma_start3A_65 = arith.constant 128 : i32
    %dma_start3A_66 = arith.constant 0 : i32
    %dma_start3A_67 = tpu.memref_slice %arg14[%dma_start3A_65, %dma_start3A_66] : memref<512x32xf32, #tpu.memory_space<vmem>> -> memref<128x32xf32, #tpu.memory_space<vmem>>
    %dma_start3A_68 = arith.constant 0 : i32
    %dma_start3A_69 = tpu.memref_slice %arg10[%dma_start3A_64, %dma_start3A_68] : memref<4x128xi32, #tpu.memory_space<vmem>> -> memref<1x128xi32, #tpu.memory_space<vmem>>
    %dma_start3A_70 = tpu.memref_squeeze %dma_start3A_69 : memref<1x128xi32, #tpu.memory_space<vmem>> -> memref<128xi32, #tpu.memory_space<vmem>>
    %dma_start3A_71 = arith.constant 0 : i32
    %dma_start3A_72 = arith.constant 0 : i32
    %dma_start3A_73 = tpu.memref_slice %arg7[%dma_start3A_71, %dma_start3A_72] : memref<1000000x32xf32, #tpu.memory_space<hbm>> -> memref<1000000x32xf32, #tpu.memory_space<hbm>>
    tpu.enqueue_indirect_dma source(%dma_start3A_73 : memref<1000000x32xf32, #tpu.memory_space<hbm>>) target(%dma_start3A_67 : memref<128x32xf32, #tpu.memory_space<vmem>>) offsets(%dma_start3A_70 : memref<128xi32, #tpu.memory_space<vmem>>) semaphore(%arg17 : memref<!tpu.dma_semaphore, #tpu.memory_space<semaphore_mem>>)
    %dma_start3A_74 = arith.constant 1 : i32
    %dma_start3A_75 = arith.constant 128 : i32
    %dma_start3A_76 = arith.constant 0 : i32
    %dma_start3A_77 = tpu.memref_slice %arg15[%dma_start3A_75, %dma_start3A_76] : memref<512x32xf32, #tpu.memory_space<vmem>> -> memref<128x32xf32, #tpu.memory_space<vmem>>
    %dma_start3A_78 = arith.constant 0 : i32
    %dma_start3A_79 = tpu.memref_slice %arg10[%dma_start3A_74, %dma_start3A_78] : memref<4x128xi32, #tpu.memory_space<vmem>> -> memref<1x128xi32, #tpu.memory_space<vmem>>
    %dma_start3A_80 = tpu.memref_squeeze %dma_start3A_79 : memref<1x128xi32, #tpu.memory_space<vmem>> -> memref<128xi32, #tpu.memory_space<vmem>>
    %dma_start3A_81 = arith.constant 0 : i32
    %dma_start3A_82 = arith.constant 0 : i32
    %dma_start3A_83 = tpu.memref_slice %arg6[%dma_start3A_81, %dma_start3A_82] : memref<1000000x32xf32, #tpu.memory_space<hbm>> -> memref<1000000x32xf32, #tpu.memory_space<hbm>>
    tpu.enqueue_indirect_dma source(%dma_start3A_83 : memref<1000000x32xf32, #tpu.memory_space<hbm>>) target(%dma_start3A_77 : memref<128x32xf32, #tpu.memory_space<vmem>>) offsets(%dma_start3A_80 : memref<128xi32, #tpu.memory_space<vmem>>) semaphore(%arg17 : memref<!tpu.dma_semaphore, #tpu.memory_space<semaphore_mem>>)
    %dma_start3A_84 = arith.constant 2 : i32
    %dma_start3A_85 = arith.constant 256 : i32
    %dma_start3A_86 = arith.constant 0 : i32
    %dma_start3A_87 = tpu.memref_slice %arg12[%dma_start3A_85, %dma_start3A_86] : memref<512x32xf32, #tpu.memory_space<vmem>> -> memref<128x32xf32, #tpu.memory_space<vmem>>
    %dma_start3A_88 = arith.constant 0 : i32
    %dma_start3A_89 = tpu.memref_slice %arg9[%dma_start3A_84, %dma_start3A_88] : memref<4x128xi32, #tpu.memory_space<vmem>> -> memref<1x128xi32, #tpu.memory_space<vmem>>
    %dma_start3A_90 = tpu.memref_squeeze %dma_start3A_89 : memref<1x128xi32, #tpu.memory_space<vmem>> -> memref<128xi32, #tpu.memory_space<vmem>>
    %dma_start3A_91 = arith.constant 0 : i32
    %dma_start3A_92 = arith.constant 0 : i32
    %dma_start3A_93 = tpu.memref_slice %arg5[%dma_start3A_91, %dma_start3A_92] : memref<1000000x32xf32, #tpu.memory_space<hbm>> -> memref<1000000x32xf32, #tpu.memory_space<hbm>>
    tpu.enqueue_indirect_dma source(%dma_start3A_93 : memref<1000000x32xf32, #tpu.memory_space<hbm>>) target(%dma_start3A_87 : memref<128x32xf32, #tpu.memory_space<vmem>>) offsets(%dma_start3A_90 : memref<128xi32, #tpu.memory_space<vmem>>) semaphore(%arg17 : memref<!tpu.dma_semaphore, #tpu.memory_space<semaphore_mem>>)
    %dma_start3A_94 = arith.constant 2 : i32
    %dma_start3A_95 = arith.constant 256 : i32
    %dma_start3A_96 = arith.constant 0 : i32
    %dma_start3A_97 = tpu.memref_slice %arg13[%dma_start3A_95, %dma_start3A_96] : memref<512x32xf32, #tpu.memory_space<vmem>> -> memref<128x32xf32, #tpu.memory_space<vmem>>
    %dma_start3A_98 = arith.constant 0 : i32
    %dma_start3A_99 = tpu.memref_slice %arg11[%dma_start3A_94, %dma_start3A_98] : memref<4x128xi32, #tpu.memory_space<vmem>> -> memref<1x128xi32, #tpu.memory_space<vmem>>
    %dma_start3A_100 = tpu.memref_squeeze %dma_start3A_99 : memref<1x128xi32, #tpu.memory_space<vmem>> -> memref<128xi32, #tpu.memory_space<vmem>>
    %dma_start3A_101 = arith.constant 0 : i32
    %dma_start3A_102 = arith.constant 0 : i32
    %dma_start3A_103 = tpu.memref_slice %arg5[%dma_start3A_101, %dma_start3A_102] : memref<1000000x32xf32, #tpu.memory_space<hbm>> -> memref<1000000x32xf32, #tpu.memory_space<hbm>>
    tpu.enqueue_indirect_dma source(%dma_start3A_103 : memref<1000000x32xf32, #tpu.memory_space<hbm>>) target(%dma_start3A_97 : memref<128x32xf32, #tpu.memory_space<vmem>>) offsets(%dma_start3A_100 : memref<128xi32, #tpu.memory_space<vmem>>) semaphore(%arg17 : memref<!tpu.dma_semaphore, #tpu.memory_space<semaphore_mem>>)
    %dma_start3A_104 = arith.constant 2 : i32
    %dma_start3A_105 = arith.constant 256 : i32
    %dma_start3A_106 = arith.constant 0 : i32
    %dma_start3A_107 = tpu.memref_slice %arg14[%dma_start3A_105, %dma_start3A_106] : memref<512x32xf32, #tpu.memory_space<vmem>> -> memref<128x32xf32, #tpu.memory_space<vmem>>
    %dma_start3A_108 = arith.constant 0 : i32
    %dma_start3A_109 = tpu.memref_slice %arg10[%dma_start3A_104, %dma_start3A_108] : memref<4x128xi32, #tpu.memory_space<vmem>> -> memref<1x128xi32, #tpu.memory_space<vmem>>
    %dma_start3A_110 = tpu.memref_squeeze %dma_start3A_109 : memref<1x128xi32, #tpu.memory_space<vmem>> -> memref<128xi32, #tpu.memory_space<vmem>>
    %dma_start3A_111 = arith.constant 0 : i32
    %dma_start3A_112 = arith.constant 0 : i32
    %dma_start3A_113 = tpu.memref_slice %arg7[%dma_start3A_111, %dma_start3A_112] : memref<1000000x32xf32, #tpu.memory_space<hbm>> -> memref<1000000x32xf32, #tpu.memory_space<hbm>>
    tpu.enqueue_indirect_dma source(%dma_start3A_113 : memref<1000000x32xf32, #tpu.memory_space<hbm>>) target(%dma_start3A_107 : memref<128x32xf32, #tpu.memory_space<vmem>>) offsets(%dma_start3A_110 : memref<128xi32, #tpu.memory_space<vmem>>) semaphore(%arg17 : memref<!tpu.dma_semaphore, #tpu.memory_space<semaphore_mem>>)
    %dma_start3A_114 = arith.constant 2 : i32
    %dma_start3A_115 = arith.constant 256 : i32
    %dma_start3A_116 = arith.constant 0 : i32
    %dma_start3A_117 = tpu.memref_slice %arg15[%dma_start3A_115, %dma_start3A_116] : memref<512x32xf32, #tpu.memory_space<vmem>> -> memref<128x32xf32, #tpu.memory_space<vmem>>
    %dma_start3A_118 = arith.constant 0 : i32
    %dma_start3A_119 = tpu.memref_slice %arg10[%dma_start3A_114, %dma_start3A_118] : memref<4x128xi32, #tpu.memory_space<vmem>> -> memref<1x128xi32, #tpu.memory_space<vmem>>
    %dma_start3A_120 = tpu.memref_squeeze %dma_start3A_119 : memref<1x128xi32, #tpu.memory_space<vmem>> -> memref<128xi32, #tpu.memory_space<vmem>>
    %dma_start3A_121 = arith.constant 0 : i32
    %dma_start3A_122 = arith.constant 0 : i32
    %dma_start3A_123 = tpu.memref_slice %arg6[%dma_start3A_121, %dma_start3A_122] : memref<1000000x32xf32, #tpu.memory_space<hbm>> -> memref<1000000x32xf32, #tpu.memory_space<hbm>>
    tpu.enqueue_indirect_dma source(%dma_start3A_123 : memref<1000000x32xf32, #tpu.memory_space<hbm>>) target(%dma_start3A_117 : memref<128x32xf32, #tpu.memory_space<vmem>>) offsets(%dma_start3A_120 : memref<128xi32, #tpu.memory_space<vmem>>) semaphore(%arg17 : memref<!tpu.dma_semaphore, #tpu.memory_space<semaphore_mem>>)
    %dma_start3A_124 = arith.constant 3 : i32
    %dma_start3A_125 = arith.constant 384 : i32
    %dma_start3A_126 = arith.constant 0 : i32
    %dma_start3A_127 = tpu.memref_slice %arg12[%dma_start3A_125, %dma_start3A_126] : memref<512x32xf32, #tpu.memory_space<vmem>> -> memref<128x32xf32, #tpu.memory_space<vmem>>
    %dma_start3A_128 = arith.constant 0 : i32
    %dma_start3A_129 = tpu.memref_slice %arg9[%dma_start3A_124, %dma_start3A_128] : memref<4x128xi32, #tpu.memory_space<vmem>> -> memref<1x128xi32, #tpu.memory_space<vmem>>
    %dma_start3A_130 = tpu.memref_squeeze %dma_start3A_129 : memref<1x128xi32, #tpu.memory_space<vmem>> -> memref<128xi32, #tpu.memory_space<vmem>>
    %dma_start3A_131 = arith.constant 0 : i32
    %dma_start3A_132 = arith.constant 0 : i32
    %dma_start3A_133 = tpu.memref_slice %arg5[%dma_start3A_131, %dma_start3A_132] : memref<1000000x32xf32, #tpu.memory_space<hbm>> -> memref<1000000x32xf32, #tpu.memory_space<hbm>>
    tpu.enqueue_indirect_dma source(%dma_start3A_133 : memref<1000000x32xf32, #tpu.memory_space<hbm>>) target(%dma_start3A_127 : memref<128x32xf32, #tpu.memory_space<vmem>>) offsets(%dma_start3A_130 : memref<128xi32, #tpu.memory_space<vmem>>) semaphore(%arg17 : memref<!tpu.dma_semaphore, #tpu.memory_space<semaphore_mem>>)
    %dma_start3A_134 = arith.constant 3 : i32
    %dma_start3A_135 = arith.constant 384 : i32
    %dma_start3A_136 = arith.constant 0 : i32
    %dma_start3A_137 = tpu.memref_slice %arg13[%dma_start3A_135, %dma_start3A_136] : memref<512x32xf32, #tpu.memory_space<vmem>> -> memref<128x32xf32, #tpu.memory_space<vmem>>
    %dma_start3A_138 = arith.constant 0 : i32
    %dma_start3A_139 = tpu.memref_slice %arg11[%dma_start3A_134, %dma_start3A_138] : memref<4x128xi32, #tpu.memory_space<vmem>> -> memref<1x128xi32, #tpu.memory_space<vmem>>
    %dma_start3A_140 = tpu.memref_squeeze %dma_start3A_139 : memref<1x128xi32, #tpu.memory_space<vmem>> -> memref<128xi32, #tpu.memory_space<vmem>>
    %dma_start3A_141 = arith.constant 0 : i32
    %dma_start3A_142 = arith.constant 0 : i32
    %dma_start3A_143 = tpu.memref_slice %arg5[%dma_start3A_141, %dma_start3A_142] : memref<1000000x32xf32, #tpu.memory_space<hbm>> -> memref<1000000x32xf32, #tpu.memory_space<hbm>>
    tpu.enqueue_indirect_dma source(%dma_start3A_143 : memref<1000000x32xf32, #tpu.memory_space<hbm>>) target(%dma_start3A_137 : memref<128x32xf32, #tpu.memory_space<vmem>>) offsets(%dma_start3A_140 : memref<128xi32, #tpu.memory_space<vmem>>) semaphore(%arg17 : memref<!tpu.dma_semaphore, #tpu.memory_space<semaphore_mem>>)
    %dma_start3A_144 = arith.constant 3 : i32
    %dma_start3A_145 = arith.constant 384 : i32
    %dma_start3A_146 = arith.constant 0 : i32
    %dma_start3A_147 = tpu.memref_slice %arg14[%dma_start3A_145, %dma_start3A_146] : memref<512x32xf32, #tpu.memory_space<vmem>> -> memref<128x32xf32, #tpu.memory_space<vmem>>
    %dma_start3A_148 = arith.constant 0 : i32
    %dma_start3A_149 = tpu.memref_slice %arg10[%dma_start3A_144, %dma_start3A_148] : memref<4x128xi32, #tpu.memory_space<vmem>> -> memref<1x128xi32, #tpu.memory_space<vmem>>
    %dma_start3A_150 = tpu.memref_squeeze %dma_start3A_149 : memref<1x128xi32, #tpu.memory_space<vmem>> -> memref<128xi32, #tpu.memory_space<vmem>>
    %dma_start3A_151 = arith.constant 0 : i32
    %dma_start3A_152 = arith.constant 0 : i32
    %dma_start3A_153 = tpu.memref_slice %arg7[%dma_start3A_151, %dma_start3A_152] : memref<1000000x32xf32, #tpu.memory_space<hbm>> -> memref<1000000x32xf32, #tpu.memory_space<hbm>>
    tpu.enqueue_indirect_dma source(%dma_start3A_153 : memref<1000000x32xf32, #tpu.memory_space<hbm>>) target(%dma_start3A_147 : memref<128x32xf32, #tpu.memory_space<vmem>>) offsets(%dma_start3A_150 : memref<128xi32, #tpu.memory_space<vmem>>) semaphore(%arg17 : memref<!tpu.dma_semaphore, #tpu.memory_space<semaphore_mem>>)
    %dma_start3A_154 = arith.constant 3 : i32
    %dma_start3A_155 = arith.constant 384 : i32
    %dma_start3A_156 = arith.constant 0 : i32
    %dma_start3A_157 = tpu.memref_slice %arg15[%dma_start3A_155, %dma_start3A_156] : memref<512x32xf32, #tpu.memory_space<vmem>> -> memref<128x32xf32, #tpu.memory_space<vmem>>
    %dma_start3A_158 = arith.constant 0 : i32
    %dma_start3A_159 = tpu.memref_slice %arg10[%dma_start3A_154, %dma_start3A_158] : memref<4x128xi32, #tpu.memory_space<vmem>> -> memref<1x128xi32, #tpu.memory_space<vmem>>
    %dma_start3A_160 = tpu.memref_squeeze %dma_start3A_159 : memref<1x128xi32, #tpu.memory_space<vmem>> -> memref<128xi32, #tpu.memory_space<vmem>>
    %dma_start3A_161 = arith.constant 0 : i32
    %dma_start3A_162 = arith.constant 0 : i32
    %dma_start3A_163 = tpu.memref_slice %arg6[%dma_start3A_161, %dma_start3A_162] : memref<1000000x32xf32, #tpu.memory_space<hbm>> -> memref<1000000x32xf32, #tpu.memory_space<hbm>>
    tpu.enqueue_indirect_dma source(%dma_start3A_163 : memref<1000000x32xf32, #tpu.memory_space<hbm>>) target(%dma_start3A_157 : memref<128x32xf32, #tpu.memory_space<vmem>>) offsets(%dma_start3A_160 : memref<128xi32, #tpu.memory_space<vmem>>) semaphore(%arg17 : memref<!tpu.dma_semaphore, #tpu.memory_space<semaphore_mem>>)
    %dma_wait3A = arith.constant 0 : i32
    %dma_wait3A_164 = arith.constant 0 : i32
    %dma_wait3A_165 = arith.constant 0 : i32
    %dma_wait3A_166 = tpu.memref_slice %arg12[%dma_wait3A_164, %dma_wait3A_165] : memref<512x32xf32, #tpu.memory_space<vmem>> -> memref<128x32xf32, #tpu.memory_space<vmem>>
    %dma_wait3A_167 = arith.constant 0 : i32
    %dma_wait3A_168 = tpu.memref_slice %arg9[%dma_wait3A, %dma_wait3A_167] : memref<4x128xi32, #tpu.memory_space<vmem>> -> memref<1x128xi32, #tpu.memory_space<vmem>>
    %dma_wait3A_169 = tpu.memref_squeeze %dma_wait3A_168 : memref<1x128xi32, #tpu.memory_space<vmem>> -> memref<128xi32, #tpu.memory_space<vmem>>
    %dma_wait3A_170 = arith.constant 0 : i32
    %dma_wait3A_171 = arith.constant 0 : i32
    %dma_wait3A_172 = tpu.memref_slice %arg5[%dma_wait3A_170, %dma_wait3A_171] : memref<1000000x32xf32, #tpu.memory_space<hbm>> -> memref<1000000x32xf32, #tpu.memory_space<hbm>>
    tpu.wait_indirect_dma semaphore(%arg17 : memref<!tpu.dma_semaphore, #tpu.memory_space<semaphore_mem>>) src(%dma_wait3A_172 : memref<1000000x32xf32, #tpu.memory_space<hbm>>) dst(%dma_wait3A_166 : memref<128x32xf32, #tpu.memory_space<vmem>>)
    %dma_wait3A_173 = arith.constant 0 : i32
    %dma_wait3A_174 = arith.constant 0 : i32
    %dma_wait3A_175 = arith.constant 0 : i32
    %dma_wait3A_176 = tpu.memref_slice %arg13[%dma_wait3A_174, %dma_wait3A_175] : memref<512x32xf32, #tpu.memory_space<vmem>> -> memref<128x32xf32, #tpu.memory_space<vmem>>
    %dma_wait3A_177 = arith.constant 0 : i32
    %dma_wait3A_178 = tpu.memref_slice %arg11[%dma_wait3A_173, %dma_wait3A_177] : memref<4x128xi32, #tpu.memory_space<vmem>> -> memref<1x128xi32, #tpu.memory_space<vmem>>
    %dma_wait3A_179 = tpu.memref_squeeze %dma_wait3A_178 : memref<1x128xi32, #tpu.memory_space<vmem>> -> memref<128xi32, #tpu.memory_space<vmem>>
    %dma_wait3A_180 = arith.constant 0 : i32
    %dma_wait3A_181 = arith.constant 0 : i32
    %dma_wait3A_182 = tpu.memref_slice %arg5[%dma_wait3A_180, %dma_wait3A_181] : memref<1000000x32xf32, #tpu.memory_space<hbm>> -> memref<1000000x32xf32, #tpu.memory_space<hbm>>
    tpu.wait_indirect_dma semaphore(%arg17 : memref<!tpu.dma_semaphore, #tpu.memory_space<semaphore_mem>>) src(%dma_wait3A_182 : memref<1000000x32xf32, #tpu.memory_space<hbm>>) dst(%dma_wait3A_176 : memref<128x32xf32, #tpu.memory_space<vmem>>)
    %dma_wait3A_183 = arith.constant 0 : i32
    %dma_wait3A_184 = arith.constant 0 : i32
    %dma_wait3A_185 = arith.constant 0 : i32
    %dma_wait3A_186 = tpu.memref_slice %arg14[%dma_wait3A_184, %dma_wait3A_185] : memref<512x32xf32, #tpu.memory_space<vmem>> -> memref<128x32xf32, #tpu.memory_space<vmem>>
    %dma_wait3A_187 = arith.constant 0 : i32
    %dma_wait3A_188 = tpu.memref_slice %arg10[%dma_wait3A_183, %dma_wait3A_187] : memref<4x128xi32, #tpu.memory_space<vmem>> -> memref<1x128xi32, #tpu.memory_space<vmem>>
    %dma_wait3A_189 = tpu.memref_squeeze %dma_wait3A_188 : memref<1x128xi32, #tpu.memory_space<vmem>> -> memref<128xi32, #tpu.memory_space<vmem>>
    %dma_wait3A_190 = arith.constant 0 : i32
    %dma_wait3A_191 = arith.constant 0 : i32
    %dma_wait3A_192 = tpu.memref_slice %arg7[%dma_wait3A_190, %dma_wait3A_191] : memref<1000000x32xf32, #tpu.memory_space<hbm>> -> memref<1000000x32xf32, #tpu.memory_space<hbm>>
    tpu.wait_indirect_dma semaphore(%arg17 : memref<!tpu.dma_semaphore, #tpu.memory_space<semaphore_mem>>) src(%dma_wait3A_192 : memref<1000000x32xf32, #tpu.memory_space<hbm>>) dst(%dma_wait3A_186 : memref<128x32xf32, #tpu.memory_space<vmem>>)
    %dma_wait3A_193 = arith.constant 0 : i32
    %dma_wait3A_194 = arith.constant 0 : i32
    %dma_wait3A_195 = arith.constant 0 : i32
    %dma_wait3A_196 = tpu.memref_slice %arg15[%dma_wait3A_194, %dma_wait3A_195] : memref<512x32xf32, #tpu.memory_space<vmem>> -> memref<128x32xf32, #tpu.memory_space<vmem>>
    %dma_wait3A_197 = arith.constant 0 : i32
    %dma_wait3A_198 = tpu.memref_slice %arg10[%dma_wait3A_193, %dma_wait3A_197] : memref<4x128xi32, #tpu.memory_space<vmem>> -> memref<1x128xi32, #tpu.memory_space<vmem>>
    %dma_wait3A_199 = tpu.memref_squeeze %dma_wait3A_198 : memref<1x128xi32, #tpu.memory_space<vmem>> -> memref<128xi32, #tpu.memory_space<vmem>>
    %dma_wait3A_200 = arith.constant 0 : i32
    %dma_wait3A_201 = arith.constant 0 : i32
    %dma_wait3A_202 = tpu.memref_slice %arg6[%dma_wait3A_200, %dma_wait3A_201] : memref<1000000x32xf32, #tpu.memory_space<hbm>> -> memref<1000000x32xf32, #tpu.memory_space<hbm>>
    tpu.wait_indirect_dma semaphore(%arg17 : memref<!tpu.dma_semaphore, #tpu.memory_space<semaphore_mem>>) src(%dma_wait3A_202 : memref<1000000x32xf32, #tpu.memory_space<hbm>>) dst(%dma_wait3A_196 : memref<128x32xf32, #tpu.memory_space<vmem>>)
    %dma_wait3A_203 = arith.constant 1 : i32
    %dma_wait3A_204 = arith.constant 128 : i32
    %dma_wait3A_205 = arith.constant 0 : i32
    %dma_wait3A_206 = tpu.memref_slice %arg12[%dma_wait3A_204, %dma_wait3A_205] : memref<512x32xf32, #tpu.memory_space<vmem>> -> memref<128x32xf32, #tpu.memory_space<vmem>>
    %dma_wait3A_207 = arith.constant 0 : i32
    %dma_wait3A_208 = tpu.memref_slice %arg9[%dma_wait3A_203, %dma_wait3A_207] : memref<4x128xi32, #tpu.memory_space<vmem>> -> memref<1x128xi32, #tpu.memory_space<vmem>>
    %dma_wait3A_209 = tpu.memref_squeeze %dma_wait3A_208 : memref<1x128xi32, #tpu.memory_space<vmem>> -> memref<128xi32, #tpu.memory_space<vmem>>
    %dma_wait3A_210 = arith.constant 0 : i32
    %dma_wait3A_211 = arith.constant 0 : i32
    %dma_wait3A_212 = tpu.memref_slice %arg5[%dma_wait3A_210, %dma_wait3A_211] : memref<1000000x32xf32, #tpu.memory_space<hbm>> -> memref<1000000x32xf32, #tpu.memory_space<hbm>>
    tpu.wait_indirect_dma semaphore(%arg17 : memref<!tpu.dma_semaphore, #tpu.memory_space<semaphore_mem>>) src(%dma_wait3A_212 : memref<1000000x32xf32, #tpu.memory_space<hbm>>) dst(%dma_wait3A_206 : memref<128x32xf32, #tpu.memory_space<vmem>>)
    %dma_wait3A_213 = arith.constant 1 : i32
    %dma_wait3A_214 = arith.constant 128 : i32
    %dma_wait3A_215 = arith.constant 0 : i32
    %dma_wait3A_216 = tpu.memref_slice %arg13[%dma_wait3A_214, %dma_wait3A_215] : memref<512x32xf32, #tpu.memory_space<vmem>> -> memref<128x32xf32, #tpu.memory_space<vmem>>
    %dma_wait3A_217 = arith.constant 0 : i32
    %dma_wait3A_218 = tpu.memref_slice %arg11[%dma_wait3A_213, %dma_wait3A_217] : memref<4x128xi32, #tpu.memory_space<vmem>> -> memref<1x128xi32, #tpu.memory_space<vmem>>
    %dma_wait3A_219 = tpu.memref_squeeze %dma_wait3A_218 : memref<1x128xi32, #tpu.memory_space<vmem>> -> memref<128xi32, #tpu.memory_space<vmem>>
    %dma_wait3A_220 = arith.constant 0 : i32
    %dma_wait3A_221 = arith.constant 0 : i32
    %dma_wait3A_222 = tpu.memref_slice %arg5[%dma_wait3A_220, %dma_wait3A_221] : memref<1000000x32xf32, #tpu.memory_space<hbm>> -> memref<1000000x32xf32, #tpu.memory_space<hbm>>
    tpu.wait_indirect_dma semaphore(%arg17 : memref<!tpu.dma_semaphore, #tpu.memory_space<semaphore_mem>>) src(%dma_wait3A_222 : memref<1000000x32xf32, #tpu.memory_space<hbm>>) dst(%dma_wait3A_216 : memref<128x32xf32, #tpu.memory_space<vmem>>)
    %dma_wait3A_223 = arith.constant 1 : i32
    %dma_wait3A_224 = arith.constant 128 : i32
    %dma_wait3A_225 = arith.constant 0 : i32
    %dma_wait3A_226 = tpu.memref_slice %arg14[%dma_wait3A_224, %dma_wait3A_225] : memref<512x32xf32, #tpu.memory_space<vmem>> -> memref<128x32xf32, #tpu.memory_space<vmem>>
    %dma_wait3A_227 = arith.constant 0 : i32
    %dma_wait3A_228 = tpu.memref_slice %arg10[%dma_wait3A_223, %dma_wait3A_227] : memref<4x128xi32, #tpu.memory_space<vmem>> -> memref<1x128xi32, #tpu.memory_space<vmem>>
    %dma_wait3A_229 = tpu.memref_squeeze %dma_wait3A_228 : memref<1x128xi32, #tpu.memory_space<vmem>> -> memref<128xi32, #tpu.memory_space<vmem>>
    %dma_wait3A_230 = arith.constant 0 : i32
    %dma_wait3A_231 = arith.constant 0 : i32
    %dma_wait3A_232 = tpu.memref_slice %arg7[%dma_wait3A_230, %dma_wait3A_231] : memref<1000000x32xf32, #tpu.memory_space<hbm>> -> memref<1000000x32xf32, #tpu.memory_space<hbm>>
    tpu.wait_indirect_dma semaphore(%arg17 : memref<!tpu.dma_semaphore, #tpu.memory_space<semaphore_mem>>) src(%dma_wait3A_232 : memref<1000000x32xf32, #tpu.memory_space<hbm>>) dst(%dma_wait3A_226 : memref<128x32xf32, #tpu.memory_space<vmem>>)
    %dma_wait3A_233 = arith.constant 1 : i32
    %dma_wait3A_234 = arith.constant 128 : i32
    %dma_wait3A_235 = arith.constant 0 : i32
    %dma_wait3A_236 = tpu.memref_slice %arg15[%dma_wait3A_234, %dma_wait3A_235] : memref<512x32xf32, #tpu.memory_space<vmem>> -> memref<128x32xf32, #tpu.memory_space<vmem>>
    %dma_wait3A_237 = arith.constant 0 : i32
    %dma_wait3A_238 = tpu.memref_slice %arg10[%dma_wait3A_233, %dma_wait3A_237] : memref<4x128xi32, #tpu.memory_space<vmem>> -> memref<1x128xi32, #tpu.memory_space<vmem>>
    %dma_wait3A_239 = tpu.memref_squeeze %dma_wait3A_238 : memref<1x128xi32, #tpu.memory_space<vmem>> -> memref<128xi32, #tpu.memory_space<vmem>>
    %dma_wait3A_240 = arith.constant 0 : i32
    %dma_wait3A_241 = arith.constant 0 : i32
    %dma_wait3A_242 = tpu.memref_slice %arg6[%dma_wait3A_240, %dma_wait3A_241] : memref<1000000x32xf32, #tpu.memory_space<hbm>> -> memref<1000000x32xf32, #tpu.memory_space<hbm>>
    tpu.wait_indirect_dma semaphore(%arg17 : memref<!tpu.dma_semaphore, #tpu.memory_space<semaphore_mem>>) src(%dma_wait3A_242 : memref<1000000x32xf32, #tpu.memory_space<hbm>>) dst(%dma_wait3A_236 : memref<128x32xf32, #tpu.memory_space<vmem>>)
    %dma_wait3A_243 = arith.constant 2 : i32
    %dma_wait3A_244 = arith.constant 256 : i32
    %dma_wait3A_245 = arith.constant 0 : i32
    %dma_wait3A_246 = tpu.memref_slice %arg12[%dma_wait3A_244, %dma_wait3A_245] : memref<512x32xf32, #tpu.memory_space<vmem>> -> memref<128x32xf32, #tpu.memory_space<vmem>>
    %dma_wait3A_247 = arith.constant 0 : i32
    %dma_wait3A_248 = tpu.memref_slice %arg9[%dma_wait3A_243, %dma_wait3A_247] : memref<4x128xi32, #tpu.memory_space<vmem>> -> memref<1x128xi32, #tpu.memory_space<vmem>>
    %dma_wait3A_249 = tpu.memref_squeeze %dma_wait3A_248 : memref<1x128xi32, #tpu.memory_space<vmem>> -> memref<128xi32, #tpu.memory_space<vmem>>
    %dma_wait3A_250 = arith.constant 0 : i32
    %dma_wait3A_251 = arith.constant 0 : i32
    %dma_wait3A_252 = tpu.memref_slice %arg5[%dma_wait3A_250, %dma_wait3A_251] : memref<1000000x32xf32, #tpu.memory_space<hbm>> -> memref<1000000x32xf32, #tpu.memory_space<hbm>>
    tpu.wait_indirect_dma semaphore(%arg17 : memref<!tpu.dma_semaphore, #tpu.memory_space<semaphore_mem>>) src(%dma_wait3A_252 : memref<1000000x32xf32, #tpu.memory_space<hbm>>) dst(%dma_wait3A_246 : memref<128x32xf32, #tpu.memory_space<vmem>>)
    %dma_wait3A_253 = arith.constant 2 : i32
    %dma_wait3A_254 = arith.constant 256 : i32
    %dma_wait3A_255 = arith.constant 0 : i32
    %dma_wait3A_256 = tpu.memref_slice %arg13[%dma_wait3A_254, %dma_wait3A_255] : memref<512x32xf32, #tpu.memory_space<vmem>> -> memref<128x32xf32, #tpu.memory_space<vmem>>
    %dma_wait3A_257 = arith.constant 0 : i32
    %dma_wait3A_258 = tpu.memref_slice %arg11[%dma_wait3A_253, %dma_wait3A_257] : memref<4x128xi32, #tpu.memory_space<vmem>> -> memref<1x128xi32, #tpu.memory_space<vmem>>
    %dma_wait3A_259 = tpu.memref_squeeze %dma_wait3A_258 : memref<1x128xi32, #tpu.memory_space<vmem>> -> memref<128xi32, #tpu.memory_space<vmem>>
    %dma_wait3A_260 = arith.constant 0 : i32
    %dma_wait3A_261 = arith.constant 0 : i32
    %dma_wait3A_262 = tpu.memref_slice %arg5[%dma_wait3A_260, %dma_wait3A_261] : memref<1000000x32xf32, #tpu.memory_space<hbm>> -> memref<1000000x32xf32, #tpu.memory_space<hbm>>
    tpu.wait_indirect_dma semaphore(%arg17 : memref<!tpu.dma_semaphore, #tpu.memory_space<semaphore_mem>>) src(%dma_wait3A_262 : memref<1000000x32xf32, #tpu.memory_space<hbm>>) dst(%dma_wait3A_256 : memref<128x32xf32, #tpu.memory_space<vmem>>)
    %dma_wait3A_263 = arith.constant 2 : i32
    %dma_wait3A_264 = arith.constant 256 : i32
    %dma_wait3A_265 = arith.constant 0 : i32
    %dma_wait3A_266 = tpu.memref_slice %arg14[%dma_wait3A_264, %dma_wait3A_265] : memref<512x32xf32, #tpu.memory_space<vmem>> -> memref<128x32xf32, #tpu.memory_space<vmem>>
    %dma_wait3A_267 = arith.constant 0 : i32
    %dma_wait3A_268 = tpu.memref_slice %arg10[%dma_wait3A_263, %dma_wait3A_267] : memref<4x128xi32, #tpu.memory_space<vmem>> -> memref<1x128xi32, #tpu.memory_space<vmem>>
    %dma_wait3A_269 = tpu.memref_squeeze %dma_wait3A_268 : memref<1x128xi32, #tpu.memory_space<vmem>> -> memref<128xi32, #tpu.memory_space<vmem>>
    %dma_wait3A_270 = arith.constant 0 : i32
    %dma_wait3A_271 = arith.constant 0 : i32
    %dma_wait3A_272 = tpu.memref_slice %arg7[%dma_wait3A_270, %dma_wait3A_271] : memref<1000000x32xf32, #tpu.memory_space<hbm>> -> memref<1000000x32xf32, #tpu.memory_space<hbm>>
    tpu.wait_indirect_dma semaphore(%arg17 : memref<!tpu.dma_semaphore, #tpu.memory_space<semaphore_mem>>) src(%dma_wait3A_272 : memref<1000000x32xf32, #tpu.memory_space<hbm>>) dst(%dma_wait3A_266 : memref<128x32xf32, #tpu.memory_space<vmem>>)
    %dma_wait3A_273 = arith.constant 2 : i32
    %dma_wait3A_274 = arith.constant 256 : i32
    %dma_wait3A_275 = arith.constant 0 : i32
    %dma_wait3A_276 = tpu.memref_slice %arg15[%dma_wait3A_274, %dma_wait3A_275] : memref<512x32xf32, #tpu.memory_space<vmem>> -> memref<128x32xf32, #tpu.memory_space<vmem>>
    %dma_wait3A_277 = arith.constant 0 : i32
    %dma_wait3A_278 = tpu.memref_slice %arg10[%dma_wait3A_273, %dma_wait3A_277] : memref<4x128xi32, #tpu.memory_space<vmem>> -> memref<1x128xi32, #tpu.memory_space<vmem>>
    %dma_wait3A_279 = tpu.memref_squeeze %dma_wait3A_278 : memref<1x128xi32, #tpu.memory_space<vmem>> -> memref<128xi32, #tpu.memory_space<vmem>>
    %dma_wait3A_280 = arith.constant 0 : i32
    %dma_wait3A_281 = arith.constant 0 : i32
    %dma_wait3A_282 = tpu.memref_slice %arg6[%dma_wait3A_280, %dma_wait3A_281] : memref<1000000x32xf32, #tpu.memory_space<hbm>> -> memref<1000000x32xf32, #tpu.memory_space<hbm>>
    tpu.wait_indirect_dma semaphore(%arg17 : memref<!tpu.dma_semaphore, #tpu.memory_space<semaphore_mem>>) src(%dma_wait3A_282 : memref<1000000x32xf32, #tpu.memory_space<hbm>>) dst(%dma_wait3A_276 : memref<128x32xf32, #tpu.memory_space<vmem>>)
    %dma_wait3A_283 = arith.constant 3 : i32
    %dma_wait3A_284 = arith.constant 384 : i32
    %dma_wait3A_285 = arith.constant 0 : i32
    %dma_wait3A_286 = tpu.memref_slice %arg12[%dma_wait3A_284, %dma_wait3A_285] : memref<512x32xf32, #tpu.memory_space<vmem>> -> memref<128x32xf32, #tpu.memory_space<vmem>>
    %dma_wait3A_287 = arith.constant 0 : i32
    %dma_wait3A_288 = tpu.memref_slice %arg9[%dma_wait3A_283, %dma_wait3A_287] : memref<4x128xi32, #tpu.memory_space<vmem>> -> memref<1x128xi32, #tpu.memory_space<vmem>>
    %dma_wait3A_289 = tpu.memref_squeeze %dma_wait3A_288 : memref<1x128xi32, #tpu.memory_space<vmem>> -> memref<128xi32, #tpu.memory_space<vmem>>
    %dma_wait3A_290 = arith.constant 0 : i32
    %dma_wait3A_291 = arith.constant 0 : i32
    %dma_wait3A_292 = tpu.memref_slice %arg5[%dma_wait3A_290, %dma_wait3A_291] : memref<1000000x32xf32, #tpu.memory_space<hbm>> -> memref<1000000x32xf32, #tpu.memory_space<hbm>>
    tpu.wait_indirect_dma semaphore(%arg17 : memref<!tpu.dma_semaphore, #tpu.memory_space<semaphore_mem>>) src(%dma_wait3A_292 : memref<1000000x32xf32, #tpu.memory_space<hbm>>) dst(%dma_wait3A_286 : memref<128x32xf32, #tpu.memory_space<vmem>>)
    %dma_wait3A_293 = arith.constant 3 : i32
    %dma_wait3A_294 = arith.constant 384 : i32
    %dma_wait3A_295 = arith.constant 0 : i32
    %dma_wait3A_296 = tpu.memref_slice %arg13[%dma_wait3A_294, %dma_wait3A_295] : memref<512x32xf32, #tpu.memory_space<vmem>> -> memref<128x32xf32, #tpu.memory_space<vmem>>
    %dma_wait3A_297 = arith.constant 0 : i32
    %dma_wait3A_298 = tpu.memref_slice %arg11[%dma_wait3A_293, %dma_wait3A_297] : memref<4x128xi32, #tpu.memory_space<vmem>> -> memref<1x128xi32, #tpu.memory_space<vmem>>
    %dma_wait3A_299 = tpu.memref_squeeze %dma_wait3A_298 : memref<1x128xi32, #tpu.memory_space<vmem>> -> memref<128xi32, #tpu.memory_space<vmem>>
    %dma_wait3A_300 = arith.constant 0 : i32
    %dma_wait3A_301 = arith.constant 0 : i32
    %dma_wait3A_302 = tpu.memref_slice %arg5[%dma_wait3A_300, %dma_wait3A_301] : memref<1000000x32xf32, #tpu.memory_space<hbm>> -> memref<1000000x32xf32, #tpu.memory_space<hbm>>
    tpu.wait_indirect_dma semaphore(%arg17 : memref<!tpu.dma_semaphore, #tpu.memory_space<semaphore_mem>>) src(%dma_wait3A_302 : memref<1000000x32xf32, #tpu.memory_space<hbm>>) dst(%dma_wait3A_296 : memref<128x32xf32, #tpu.memory_space<vmem>>)
    %dma_wait3A_303 = arith.constant 3 : i32
    %dma_wait3A_304 = arith.constant 384 : i32
    %dma_wait3A_305 = arith.constant 0 : i32
    %dma_wait3A_306 = tpu.memref_slice %arg14[%dma_wait3A_304, %dma_wait3A_305] : memref<512x32xf32, #tpu.memory_space<vmem>> -> memref<128x32xf32, #tpu.memory_space<vmem>>
    %dma_wait3A_307 = arith.constant 0 : i32
    %dma_wait3A_308 = tpu.memref_slice %arg10[%dma_wait3A_303, %dma_wait3A_307] : memref<4x128xi32, #tpu.memory_space<vmem>> -> memref<1x128xi32, #tpu.memory_space<vmem>>
    %dma_wait3A_309 = tpu.memref_squeeze %dma_wait3A_308 : memref<1x128xi32, #tpu.memory_space<vmem>> -> memref<128xi32, #tpu.memory_space<vmem>>
    %dma_wait3A_310 = arith.constant 0 : i32
    %dma_wait3A_311 = arith.constant 0 : i32
    %dma_wait3A_312 = tpu.memref_slice %arg7[%dma_wait3A_310, %dma_wait3A_311] : memref<1000000x32xf32, #tpu.memory_space<hbm>> -> memref<1000000x32xf32, #tpu.memory_space<hbm>>
    tpu.wait_indirect_dma semaphore(%arg17 : memref<!tpu.dma_semaphore, #tpu.memory_space<semaphore_mem>>) src(%dma_wait3A_312 : memref<1000000x32xf32, #tpu.memory_space<hbm>>) dst(%dma_wait3A_306 : memref<128x32xf32, #tpu.memory_space<vmem>>)
    %dma_wait3A_313 = arith.constant 3 : i32
    %dma_wait3A_314 = arith.constant 384 : i32
    %dma_wait3A_315 = arith.constant 0 : i32
    %dma_wait3A_316 = tpu.memref_slice %arg15[%dma_wait3A_314, %dma_wait3A_315] : memref<512x32xf32, #tpu.memory_space<vmem>> -> memref<128x32xf32, #tpu.memory_space<vmem>>
    %dma_wait3A_317 = arith.constant 0 : i32
    %dma_wait3A_318 = tpu.memref_slice %arg10[%dma_wait3A_313, %dma_wait3A_317] : memref<4x128xi32, #tpu.memory_space<vmem>> -> memref<1x128xi32, #tpu.memory_space<vmem>>
    %dma_wait3A_319 = tpu.memref_squeeze %dma_wait3A_318 : memref<1x128xi32, #tpu.memory_space<vmem>> -> memref<128xi32, #tpu.memory_space<vmem>>
    %dma_wait3A_320 = arith.constant 0 : i32
    %dma_wait3A_321 = arith.constant 0 : i32
    %dma_wait3A_322 = tpu.memref_slice %arg6[%dma_wait3A_320, %dma_wait3A_321] : memref<1000000x32xf32, #tpu.memory_space<hbm>> -> memref<1000000x32xf32, #tpu.memory_space<hbm>>
    tpu.wait_indirect_dma semaphore(%arg17 : memref<!tpu.dma_semaphore, #tpu.memory_space<semaphore_mem>>) src(%dma_wait3A_322 : memref<1000000x32xf32, #tpu.memory_space<hbm>>) dst(%dma_wait3A_316 : memref<128x32xf32, #tpu.memory_space<vmem>>)
    %iota3A = tpu.iota {dimensions = array<i32: 0>} : vector<16xi32>
    %scan3A = arith.constant 0 : i32
    %scan3A_323 = arith.constant 0 : i32
    %scan3A_324 = arith.constant 32 : i32
    %scan3A_325 = arith.addi %scan3A_323, %scan3A_324 : i32
    %scan3A_326 = arith.constant 1 : i32
    scf.for %scan3A_328 = %scan3A_323 to %scan3A_325 step %scan3A_326  : i32 {
      %mul3A_329 = arith.constant 16 : i32
      %mul3A_330 = arith.muli %scan3A_328, %mul3A_329 : i32
      %add3A_331 = vector.broadcast %mul3A_330 : i32 to vector<16xi32>
      %add3A_332 = arith.addi %add3A_331, %iota3A : vector<16xi32>
      %broadcast_in_dim3A = arith.constant 0.000000e+00 : f32
      %broadcast_in_dim3A_333 = vector.broadcast %broadcast_in_dim3A : f32 to vector<16xf32>
      %broadcast_in_dim3A_334 = arith.constant 0 : i32
      %broadcast_in_dim3A_335 = vector.broadcast %broadcast_in_dim3A_334 : i32 to vector<16xi32>
      %gather3A = tpu.vector_load_idx %arg12[%add3A_332, %broadcast_in_dim3A_335] : memref<512x32xf32, #tpu.memory_space<vmem>>[vector<16xi32>, vector<16xi32>], vector<16xf32>,
      %gather3A_336 = tpu.vector_load_idx %arg13[%add3A_332, %broadcast_in_dim3A_335] : memref<512x32xf32, #tpu.memory_space<vmem>>[vector<16xi32>, vector<16xi32>], vector<16xf32>,
      %gather3A_337 = tpu.vector_load_idx %arg14[%add3A_332, %broadcast_in_dim3A_335] : memref<512x32xf32, #tpu.memory_space<vmem>>[vector<16xi32>, vector<16xi32>], vector<16xf32>,
      %sub3A = arith.subf %gather3A, %gather3A_336 : vector<16xf32>
      %mul3A_338 = arith.mulf %sub3A, %gather3A_337 : vector<16xf32>
      %add3A_339 = arith.addf %broadcast_in_dim3A_333, %mul3A_338 : vector<16xf32>
      %broadcast_in_dim3A_340 = arith.constant 1 : i32
      %broadcast_in_dim3A_341 = vector.broadcast %broadcast_in_dim3A_340 : i32 to vector<16xi32>
      %gather3A_342 = tpu.vector_load_idx %arg12[%add3A_332, %broadcast_in_dim3A_341] : memref<512x32xf32, #tpu.memory_space<vmem>>[vector<16xi32>, vector<16xi32>], vector<16xf32>,
      %gather3A_343 = tpu.vector_load_idx %arg13[%add3A_332, %broadcast_in_dim3A_341] : memref<512x32xf32, #tpu.memory_space<vmem>>[vector<16xi32>, vector<16xi32>], vector<16xf32>,
      %gather3A_344 = tpu.vector_load_idx %arg14[%add3A_332, %broadcast_in_dim3A_341] : memref<512x32xf32, #tpu.memory_space<vmem>>[vector<16xi32>, vector<16xi32>], vector<16xf32>,
      %sub3A_345 = arith.subf %gather3A_342, %gather3A_343 : vector<16xf32>
      %mul3A_346 = arith.mulf %sub3A_345, %gather3A_344 : vector<16xf32>
      %add3A_347 = arith.addf %add3A_339, %mul3A_346 : vector<16xf32>
      %broadcast_in_dim3A_348 = arith.constant 2 : i32
      %broadcast_in_dim3A_349 = vector.broadcast %broadcast_in_dim3A_348 : i32 to vector<16xi32>
      %gather3A_350 = tpu.vector_load_idx %arg12[%add3A_332, %broadcast_in_dim3A_349] : memref<512x32xf32, #tpu.memory_space<vmem>>[vector<16xi32>, vector<16xi32>], vector<16xf32>,
      %gather3A_351 = tpu.vector_load_idx %arg13[%add3A_332, %broadcast_in_dim3A_349] : memref<512x32xf32, #tpu.memory_space<vmem>>[vector<16xi32>, vector<16xi32>], vector<16xf32>,
      %gather3A_352 = tpu.vector_load_idx %arg14[%add3A_332, %broadcast_in_dim3A_349] : memref<512x32xf32, #tpu.memory_space<vmem>>[vector<16xi32>, vector<16xi32>], vector<16xf32>,
      %sub3A_353 = arith.subf %gather3A_350, %gather3A_351 : vector<16xf32>
      %mul3A_354 = arith.mulf %sub3A_353, %gather3A_352 : vector<16xf32>
      %add3A_355 = arith.addf %add3A_347, %mul3A_354 : vector<16xf32>
      %broadcast_in_dim3A_356 = arith.constant 3 : i32
      %broadcast_in_dim3A_357 = vector.broadcast %broadcast_in_dim3A_356 : i32 to vector<16xi32>
      %gather3A_358 = tpu.vector_load_idx %arg12[%add3A_332, %broadcast_in_dim3A_357] : memref<512x32xf32, #tpu.memory_space<vmem>>[vector<16xi32>, vector<16xi32>], vector<16xf32>,
      %gather3A_359 = tpu.vector_load_idx %arg13[%add3A_332, %broadcast_in_dim3A_357] : memref<512x32xf32, #tpu.memory_space<vmem>>[vector<16xi32>, vector<16xi32>], vector<16xf32>,
      %gather3A_360 = tpu.vector_load_idx %arg14[%add3A_332, %broadcast_in_dim3A_357] : memref<512x32xf32, #tpu.memory_space<vmem>>[vector<16xi32>, vector<16xi32>], vector<16xf32>,
      %sub3A_361 = arith.subf %gather3A_358, %gather3A_359 : vector<16xf32>
      %mul3A_362 = arith.mulf %sub3A_361, %gather3A_360 : vector<16xf32>
      %add3A_363 = arith.addf %add3A_355, %mul3A_362 : vector<16xf32>
      %broadcast_in_dim3A_364 = arith.constant 4 : i32
      %broadcast_in_dim3A_365 = vector.broadcast %broadcast_in_dim3A_364 : i32 to vector<16xi32>
      %gather3A_366 = tpu.vector_load_idx %arg12[%add3A_332, %broadcast_in_dim3A_365] : memref<512x32xf32, #tpu.memory_space<vmem>>[vector<16xi32>, vector<16xi32>], vector<16xf32>,
      %gather3A_367 = tpu.vector_load_idx %arg13[%add3A_332, %broadcast_in_dim3A_365] : memref<512x32xf32, #tpu.memory_space<vmem>>[vector<16xi32>, vector<16xi32>], vector<16xf32>,
      %gather3A_368 = tpu.vector_load_idx %arg14[%add3A_332, %broadcast_in_dim3A_365] : memref<512x32xf32, #tpu.memory_space<vmem>>[vector<16xi32>, vector<16xi32>], vector<16xf32>,
      %sub3A_369 = arith.subf %gather3A_366, %gather3A_367 : vector<16xf32>
      %mul3A_370 = arith.mulf %sub3A_369, %gather3A_368 : vector<16xf32>
      %add3A_371 = arith.addf %add3A_363, %mul3A_370 : vector<16xf32>
      %broadcast_in_dim3A_372 = arith.constant 5 : i32
      %broadcast_in_dim3A_373 = vector.broadcast %broadcast_in_dim3A_372 : i32 to vector<16xi32>
      %gather3A_374 = tpu.vector_load_idx %arg12[%add3A_332, %broadcast_in_dim3A_373] : memref<512x32xf32, #tpu.memory_space<vmem>>[vector<16xi32>, vector<16xi32>], vector<16xf32>,
      %gather3A_375 = tpu.vector_load_idx %arg13[%add3A_332, %broadcast_in_dim3A_373] : memref<512x32xf32, #tpu.memory_space<vmem>>[vector<16xi32>, vector<16xi32>], vector<16xf32>,
      %gather3A_376 = tpu.vector_load_idx %arg14[%add3A_332, %broadcast_in_dim3A_373] : memref<512x32xf32, #tpu.memory_space<vmem>>[vector<16xi32>, vector<16xi32>], vector<16xf32>,
      %sub3A_377 = arith.subf %gather3A_374, %gather3A_375 : vector<16xf32>
      %mul3A_378 = arith.mulf %sub3A_377, %gather3A_376 : vector<16xf32>
      %add3A_379 = arith.addf %add3A_371, %mul3A_378 : vector<16xf32>
      %broadcast_in_dim3A_380 = arith.constant 6 : i32
      %broadcast_in_dim3A_381 = vector.broadcast %broadcast_in_dim3A_380 : i32 to vector<16xi32>
      %gather3A_382 = tpu.vector_load_idx %arg12[%add3A_332, %broadcast_in_dim3A_381] : memref<512x32xf32, #tpu.memory_space<vmem>>[vector<16xi32>, vector<16xi32>], vector<16xf32>,
      %gather3A_383 = tpu.vector_load_idx %arg13[%add3A_332, %broadcast_in_dim3A_381] : memref<512x32xf32, #tpu.memory_space<vmem>>[vector<16xi32>, vector<16xi32>], vector<16xf32>,
      %gather3A_384 = tpu.vector_load_idx %arg14[%add3A_332, %broadcast_in_dim3A_381] : memref<512x32xf32, #tpu.memory_space<vmem>>[vector<16xi32>, vector<16xi32>], vector<16xf32>,
      %sub3A_385 = arith.subf %gather3A_382, %gather3A_383 : vector<16xf32>
      %mul3A_386 = arith.mulf %sub3A_385, %gather3A_384 : vector<16xf32>
      %add3A_387 = arith.addf %add3A_379, %mul3A_386 : vector<16xf32>
      %broadcast_in_dim3A_388 = arith.constant 7 : i32
      %broadcast_in_dim3A_389 = vector.broadcast %broadcast_in_dim3A_388 : i32 to vector<16xi32>
      %gather3A_390 = tpu.vector_load_idx %arg12[%add3A_332, %broadcast_in_dim3A_389] : memref<512x32xf32, #tpu.memory_space<vmem>>[vector<16xi32>, vector<16xi32>], vector<16xf32>,
      %gather3A_391 = tpu.vector_load_idx %arg13[%add3A_332, %broadcast_in_dim3A_389] : memref<512x32xf32, #tpu.memory_space<vmem>>[vector<16xi32>, vector<16xi32>], vector<16xf32>,
      %gather3A_392 = tpu.vector_load_idx %arg14[%add3A_332, %broadcast_in_dim3A_389] : memref<512x32xf32, #tpu.memory_space<vmem>>[vector<16xi32>, vector<16xi32>], vector<16xf32>,
      %sub3A_393 = arith.subf %gather3A_390, %gather3A_391 : vector<16xf32>
      %mul3A_394 = arith.mulf %sub3A_393, %gather3A_392 : vector<16xf32>
      %add3A_395 = arith.addf %add3A_387, %mul3A_394 : vector<16xf32>
      %broadcast_in_dim3A_396 = arith.constant 8 : i32
      %broadcast_in_dim3A_397 = vector.broadcast %broadcast_in_dim3A_396 : i32 to vector<16xi32>
      %gather3A_398 = tpu.vector_load_idx %arg12[%add3A_332, %broadcast_in_dim3A_397] : memref<512x32xf32, #tpu.memory_space<vmem>>[vector<16xi32>, vector<16xi32>], vector<16xf32>,
      %gather3A_399 = tpu.vector_load_idx %arg13[%add3A_332, %broadcast_in_dim3A_397] : memref<512x32xf32, #tpu.memory_space<vmem>>[vector<16xi32>, vector<16xi32>], vector<16xf32>,
      %gather3A_400 = tpu.vector_load_idx %arg14[%add3A_332, %broadcast_in_dim3A_397] : memref<512x32xf32, #tpu.memory_space<vmem>>[vector<16xi32>, vector<16xi32>], vector<16xf32>,
      %sub3A_401 = arith.subf %gather3A_398, %gather3A_399 : vector<16xf32>
      %mul3A_402 = arith.mulf %sub3A_401, %gather3A_400 : vector<16xf32>
      %add3A_403 = arith.addf %add3A_395, %mul3A_402 : vector<16xf32>
      %broadcast_in_dim3A_404 = arith.constant 9 : i32
      %broadcast_in_dim3A_405 = vector.broadcast %broadcast_in_dim3A_404 : i32 to vector<16xi32>
      %gather3A_406 = tpu.vector_load_idx %arg12[%add3A_332, %broadcast_in_dim3A_405] : memref<512x32xf32, #tpu.memory_space<vmem>>[vector<16xi32>, vector<16xi32>], vector<16xf32>,
      %gather3A_407 = tpu.vector_load_idx %arg13[%add3A_332, %broadcast_in_dim3A_405] : memref<512x32xf32, #tpu.memory_space<vmem>>[vector<16xi32>, vector<16xi32>], vector<16xf32>,
      %gather3A_408 = tpu.vector_load_idx %arg14[%add3A_332, %broadcast_in_dim3A_405] : memref<512x32xf32, #tpu.memory_space<vmem>>[vector<16xi32>, vector<16xi32>], vector<16xf32>,
      %sub3A_409 = arith.subf %gather3A_406, %gather3A_407 : vector<16xf32>
      %mul3A_410 = arith.mulf %sub3A_409, %gather3A_408 : vector<16xf32>
      %add3A_411 = arith.addf %add3A_403, %mul3A_410 : vector<16xf32>
      %broadcast_in_dim3A_412 = arith.constant 10 : i32
      %broadcast_in_dim3A_413 = vector.broadcast %broadcast_in_dim3A_412 : i32 to vector<16xi32>
      %gather3A_414 = tpu.vector_load_idx %arg12[%add3A_332, %broadcast_in_dim3A_413] : memref<512x32xf32, #tpu.memory_space<vmem>>[vector<16xi32>, vector<16xi32>], vector<16xf32>,
      %gather3A_415 = tpu.vector_load_idx %arg13[%add3A_332, %broadcast_in_dim3A_413] : memref<512x32xf32, #tpu.memory_space<vmem>>[vector<16xi32>, vector<16xi32>], vector<16xf32>,
      %gather3A_416 = tpu.vector_load_idx %arg14[%add3A_332, %broadcast_in_dim3A_413] : memref<512x32xf32, #tpu.memory_space<vmem>>[vector<16xi32>, vector<16xi32>], vector<16xf32>,
      %sub3A_417 = arith.subf %gather3A_414, %gather3A_415 : vector<16xf32>
      %mul3A_418 = arith.mulf %sub3A_417, %gather3A_416 : vector<16xf32>
      %add3A_419 = arith.addf %add3A_411, %mul3A_418 : vector<16xf32>
      %broadcast_in_dim3A_420 = arith.constant 11 : i32
      %broadcast_in_dim3A_421 = vector.broadcast %broadcast_in_dim3A_420 : i32 to vector<16xi32>
      %gather3A_422 = tpu.vector_load_idx %arg12[%add3A_332, %broadcast_in_dim3A_421] : memref<512x32xf32, #tpu.memory_space<vmem>>[vector<16xi32>, vector<16xi32>], vector<16xf32>,
      %gather3A_423 = tpu.vector_load_idx %arg13[%add3A_332, %broadcast_in_dim3A_421] : memref<512x32xf32, #tpu.memory_space<vmem>>[vector<16xi32>, vector<16xi32>], vector<16xf32>,
      %gather3A_424 = tpu.vector_load_idx %arg14[%add3A_332, %broadcast_in_dim3A_421] : memref<512x32xf32, #tpu.memory_space<vmem>>[vector<16xi32>, vector<16xi32>], vector<16xf32>,
      %sub3A_425 = arith.subf %gather3A_422, %gather3A_423 : vector<16xf32>
      %mul3A_426 = arith.mulf %sub3A_425, %gather3A_424 : vector<16xf32>
      %add3A_427 = arith.addf %add3A_419, %mul3A_426 : vector<16xf32>
      %broadcast_in_dim3A_428 = arith.constant 12 : i32
      %broadcast_in_dim3A_429 = vector.broadcast %broadcast_in_dim3A_428 : i32 to vector<16xi32>
      %gather3A_430 = tpu.vector_load_idx %arg12[%add3A_332, %broadcast_in_dim3A_429] : memref<512x32xf32, #tpu.memory_space<vmem>>[vector<16xi32>, vector<16xi32>], vector<16xf32>,
      %gather3A_431 = tpu.vector_load_idx %arg13[%add3A_332, %broadcast_in_dim3A_429] : memref<512x32xf32, #tpu.memory_space<vmem>>[vector<16xi32>, vector<16xi32>], vector<16xf32>,
      %gather3A_432 = tpu.vector_load_idx %arg14[%add3A_332, %broadcast_in_dim3A_429] : memref<512x32xf32, #tpu.memory_space<vmem>>[vector<16xi32>, vector<16xi32>], vector<16xf32>,
      %sub3A_433 = arith.subf %gather3A_430, %gather3A_431 : vector<16xf32>
      %mul3A_434 = arith.mulf %sub3A_433, %gather3A_432 : vector<16xf32>
      %add3A_435 = arith.addf %add3A_427, %mul3A_434 : vector<16xf32>
      %broadcast_in_dim3A_436 = arith.constant 13 : i32
      %broadcast_in_dim3A_437 = vector.broadcast %broadcast_in_dim3A_436 : i32 to vector<16xi32>
      %gather3A_438 = tpu.vector_load_idx %arg12[%add3A_332, %broadcast_in_dim3A_437] : memref<512x32xf32, #tpu.memory_space<vmem>>[vector<16xi32>, vector<16xi32>], vector<16xf32>,
      %gather3A_439 = tpu.vector_load_idx %arg13[%add3A_332, %broadcast_in_dim3A_437] : memref<512x32xf32, #tpu.memory_space<vmem>>[vector<16xi32>, vector<16xi32>], vector<16xf32>,
      %gather3A_440 = tpu.vector_load_idx %arg14[%add3A_332, %broadcast_in_dim3A_437] : memref<512x32xf32, #tpu.memory_space<vmem>>[vector<16xi32>, vector<16xi32>], vector<16xf32>,
      %sub3A_441 = arith.subf %gather3A_438, %gather3A_439 : vector<16xf32>
      %mul3A_442 = arith.mulf %sub3A_441, %gather3A_440 : vector<16xf32>
      %add3A_443 = arith.addf %add3A_435, %mul3A_442 : vector<16xf32>
      %broadcast_in_dim3A_444 = arith.constant 14 : i32
      %broadcast_in_dim3A_445 = vector.broadcast %broadcast_in_dim3A_444 : i32 to vector<16xi32>
      %gather3A_446 = tpu.vector_load_idx %arg12[%add3A_332, %broadcast_in_dim3A_445] : memref<512x32xf32, #tpu.memory_space<vmem>>[vector<16xi32>, vector<16xi32>], vector<16xf32>,
      %gather3A_447 = tpu.vector_load_idx %arg13[%add3A_332, %broadcast_in_dim3A_445] : memref<512x32xf32, #tpu.memory_space<vmem>>[vector<16xi32>, vector<16xi32>], vector<16xf32>,
      %gather3A_448 = tpu.vector_load_idx %arg14[%add3A_332, %broadcast_in_dim3A_445] : memref<512x32xf32, #tpu.memory_space<vmem>>[vector<16xi32>, vector<16xi32>], vector<16xf32>,
      %sub3A_449 = arith.subf %gather3A_446, %gather3A_447 : vector<16xf32>
      %mul3A_450 = arith.mulf %sub3A_449, %gather3A_448 : vector<16xf32>
      %add3A_451 = arith.addf %add3A_443, %mul3A_450 : vector<16xf32>
      %broadcast_in_dim3A_452 = arith.constant 15 : i32
      %broadcast_in_dim3A_453 = vector.broadcast %broadcast_in_dim3A_452 : i32 to vector<16xi32>
      %gather3A_454 = tpu.vector_load_idx %arg12[%add3A_332, %broadcast_in_dim3A_453] : memref<512x32xf32, #tpu.memory_space<vmem>>[vector<16xi32>, vector<16xi32>], vector<16xf32>,
      %gather3A_455 = tpu.vector_load_idx %arg13[%add3A_332, %broadcast_in_dim3A_453] : memref<512x32xf32, #tpu.memory_space<vmem>>[vector<16xi32>, vector<16xi32>], vector<16xf32>,
      %gather3A_456 = tpu.vector_load_idx %arg14[%add3A_332, %broadcast_in_dim3A_453] : memref<512x32xf32, #tpu.memory_space<vmem>>[vector<16xi32>, vector<16xi32>], vector<16xf32>,
      %sub3A_457 = arith.subf %gather3A_454, %gather3A_455 : vector<16xf32>
      %mul3A_458 = arith.mulf %sub3A_457, %gather3A_456 : vector<16xf32>
      %add3A_459 = arith.addf %add3A_451, %mul3A_458 : vector<16xf32>
      %broadcast_in_dim3A_460 = arith.constant 16 : i32
      %broadcast_in_dim3A_461 = vector.broadcast %broadcast_in_dim3A_460 : i32 to vector<16xi32>
      %gather3A_462 = tpu.vector_load_idx %arg12[%add3A_332, %broadcast_in_dim3A_461] : memref<512x32xf32, #tpu.memory_space<vmem>>[vector<16xi32>, vector<16xi32>], vector<16xf32>,
      %gather3A_463 = tpu.vector_load_idx %arg13[%add3A_332, %broadcast_in_dim3A_461] : memref<512x32xf32, #tpu.memory_space<vmem>>[vector<16xi32>, vector<16xi32>], vector<16xf32>,
      %gather3A_464 = tpu.vector_load_idx %arg14[%add3A_332, %broadcast_in_dim3A_461] : memref<512x32xf32, #tpu.memory_space<vmem>>[vector<16xi32>, vector<16xi32>], vector<16xf32>,
      %sub3A_465 = arith.subf %gather3A_462, %gather3A_463 : vector<16xf32>
      %mul3A_466 = arith.mulf %sub3A_465, %gather3A_464 : vector<16xf32>
      %add3A_467 = arith.addf %add3A_459, %mul3A_466 : vector<16xf32>
      %broadcast_in_dim3A_468 = arith.constant 17 : i32
      %broadcast_in_dim3A_469 = vector.broadcast %broadcast_in_dim3A_468 : i32 to vector<16xi32>
      %gather3A_470 = tpu.vector_load_idx %arg12[%add3A_332, %broadcast_in_dim3A_469] : memref<512x32xf32, #tpu.memory_space<vmem>>[vector<16xi32>, vector<16xi32>], vector<16xf32>,
      %gather3A_471 = tpu.vector_load_idx %arg13[%add3A_332, %broadcast_in_dim3A_469] : memref<512x32xf32, #tpu.memory_space<vmem>>[vector<16xi32>, vector<16xi32>], vector<16xf32>,
      %gather3A_472 = tpu.vector_load_idx %arg14[%add3A_332, %broadcast_in_dim3A_469] : memref<512x32xf32, #tpu.memory_space<vmem>>[vector<16xi32>, vector<16xi32>], vector<16xf32>,
      %sub3A_473 = arith.subf %gather3A_470, %gather3A_471 : vector<16xf32>
      %mul3A_474 = arith.mulf %sub3A_473, %gather3A_472 : vector<16xf32>
      %add3A_475 = arith.addf %add3A_467, %mul3A_474 : vector<16xf32>
      %broadcast_in_dim3A_476 = arith.constant 18 : i32
      %broadcast_in_dim3A_477 = vector.broadcast %broadcast_in_dim3A_476 : i32 to vector<16xi32>
      %gather3A_478 = tpu.vector_load_idx %arg12[%add3A_332, %broadcast_in_dim3A_477] : memref<512x32xf32, #tpu.memory_space<vmem>>[vector<16xi32>, vector<16xi32>], vector<16xf32>,
      %gather3A_479 = tpu.vector_load_idx %arg13[%add3A_332, %broadcast_in_dim3A_477] : memref<512x32xf32, #tpu.memory_space<vmem>>[vector<16xi32>, vector<16xi32>], vector<16xf32>,
      %gather3A_480 = tpu.vector_load_idx %arg14[%add3A_332, %broadcast_in_dim3A_477] : memref<512x32xf32, #tpu.memory_space<vmem>>[vector<16xi32>, vector<16xi32>], vector<16xf32>,
      %sub3A_481 = arith.subf %gather3A_478, %gather3A_479 : vector<16xf32>
      %mul3A_482 = arith.mulf %sub3A_481, %gather3A_480 : vector<16xf32>
      %add3A_483 = arith.addf %add3A_475, %mul3A_482 : vector<16xf32>
      %broadcast_in_dim3A_484 = arith.constant 19 : i32
      %broadcast_in_dim3A_485 = vector.broadcast %broadcast_in_dim3A_484 : i32 to vector<16xi32>
      %gather3A_486 = tpu.vector_load_idx %arg12[%add3A_332, %broadcast_in_dim3A_485] : memref<512x32xf32, #tpu.memory_space<vmem>>[vector<16xi32>, vector<16xi32>], vector<16xf32>,
      %gather3A_487 = tpu.vector_load_idx %arg13[%add3A_332, %broadcast_in_dim3A_485] : memref<512x32xf32, #tpu.memory_space<vmem>>[vector<16xi32>, vector<16xi32>], vector<16xf32>,
      %gather3A_488 = tpu.vector_load_idx %arg14[%add3A_332, %broadcast_in_dim3A_485] : memref<512x32xf32, #tpu.memory_space<vmem>>[vector<16xi32>, vector<16xi32>], vector<16xf32>,
      %sub3A_489 = arith.subf %gather3A_486, %gather3A_487 : vector<16xf32>
      %mul3A_490 = arith.mulf %sub3A_489, %gather3A_488 : vector<16xf32>
      %add3A_491 = arith.addf %add3A_483, %mul3A_490 : vector<16xf32>
      %broadcast_in_dim3A_492 = arith.constant 20 : i32
      %broadcast_in_dim3A_493 = vector.broadcast %broadcast_in_dim3A_492 : i32 to vector<16xi32>
      %gather3A_494 = tpu.vector_load_idx %arg12[%add3A_332, %broadcast_in_dim3A_493] : memref<512x32xf32, #tpu.memory_space<vmem>>[vector<16xi32>, vector<16xi32>], vector<16xf32>,
      %gather3A_495 = tpu.vector_load_idx %arg13[%add3A_332, %broadcast_in_dim3A_493] : memref<512x32xf32, #tpu.memory_space<vmem>>[vector<16xi32>, vector<16xi32>], vector<16xf32>,
      %gather3A_496 = tpu.vector_load_idx %arg14[%add3A_332, %broadcast_in_dim3A_493] : memref<512x32xf32, #tpu.memory_space<vmem>>[vector<16xi32>, vector<16xi32>], vector<16xf32>,
      %sub3A_497 = arith.subf %gather3A_494, %gather3A_495 : vector<16xf32>
      %mul3A_498 = arith.mulf %sub3A_497, %gather3A_496 : vector<16xf32>
      %add3A_499 = arith.addf %add3A_491, %mul3A_498 : vector<16xf32>
      %broadcast_in_dim3A_500 = arith.constant 21 : i32
      %broadcast_in_dim3A_501 = vector.broadcast %broadcast_in_dim3A_500 : i32 to vector<16xi32>
      %gather3A_502 = tpu.vector_load_idx %arg12[%add3A_332, %broadcast_in_dim3A_501] : memref<512x32xf32, #tpu.memory_space<vmem>>[vector<16xi32>, vector<16xi32>], vector<16xf32>,
      %gather3A_503 = tpu.vector_load_idx %arg13[%add3A_332, %broadcast_in_dim3A_501] : memref<512x32xf32, #tpu.memory_space<vmem>>[vector<16xi32>, vector<16xi32>], vector<16xf32>,
      %gather3A_504 = tpu.vector_load_idx %arg14[%add3A_332, %broadcast_in_dim3A_501] : memref<512x32xf32, #tpu.memory_space<vmem>>[vector<16xi32>, vector<16xi32>], vector<16xf32>,
      %sub3A_505 = arith.subf %gather3A_502, %gather3A_503 : vector<16xf32>
      %mul3A_506 = arith.mulf %sub3A_505, %gather3A_504 : vector<16xf32>
      %add3A_507 = arith.addf %add3A_499, %mul3A_506 : vector<16xf32>
      %broadcast_in_dim3A_508 = arith.constant 22 : i32
      %broadcast_in_dim3A_509 = vector.broadcast %broadcast_in_dim3A_508 : i32 to vector<16xi32>
      %gather3A_510 = tpu.vector_load_idx %arg12[%add3A_332, %broadcast_in_dim3A_509] : memref<512x32xf32, #tpu.memory_space<vmem>>[vector<16xi32>, vector<16xi32>], vector<16xf32>,
      %gather3A_511 = tpu.vector_load_idx %arg13[%add3A_332, %broadcast_in_dim3A_509] : memref<512x32xf32, #tpu.memory_space<vmem>>[vector<16xi32>, vector<16xi32>], vector<16xf32>,
      %gather3A_512 = tpu.vector_load_idx %arg14[%add3A_332, %broadcast_in_dim3A_509] : memref<512x32xf32, #tpu.memory_space<vmem>>[vector<16xi32>, vector<16xi32>], vector<16xf32>,
      %sub3A_513 = arith.subf %gather3A_510, %gather3A_511 : vector<16xf32>
      %mul3A_514 = arith.mulf %sub3A_513, %gather3A_512 : vector<16xf32>
      %add3A_515 = arith.addf %add3A_507, %mul3A_514 : vector<16xf32>
      %broadcast_in_dim3A_516 = arith.constant 23 : i32
      %broadcast_in_dim3A_517 = vector.broadcast %broadcast_in_dim3A_516 : i32 to vector<16xi32>
      %gather3A_518 = tpu.vector_load_idx %arg12[%add3A_332, %broadcast_in_dim3A_517] : memref<512x32xf32, #tpu.memory_space<vmem>>[vector<16xi32>, vector<16xi32>], vector<16xf32>,
      %gather3A_519 = tpu.vector_load_idx %arg13[%add3A_332, %broadcast_in_dim3A_517] : memref<512x32xf32, #tpu.memory_space<vmem>>[vector<16xi32>, vector<16xi32>], vector<16xf32>,
      %gather3A_520 = tpu.vector_load_idx %arg14[%add3A_332, %broadcast_in_dim3A_517] : memref<512x32xf32, #tpu.memory_space<vmem>>[vector<16xi32>, vector<16xi32>], vector<16xf32>,
      %sub3A_521 = arith.subf %gather3A_518, %gather3A_519 : vector<16xf32>
      %mul3A_522 = arith.mulf %sub3A_521, %gather3A_520 : vector<16xf32>
      %add3A_523 = arith.addf %add3A_515, %mul3A_522 : vector<16xf32>
      %broadcast_in_dim3A_524 = arith.constant 24 : i32
      %broadcast_in_dim3A_525 = vector.broadcast %broadcast_in_dim3A_524 : i32 to vector<16xi32>
      %gather3A_526 = tpu.vector_load_idx %arg12[%add3A_332, %broadcast_in_dim3A_525] : memref<512x32xf32, #tpu.memory_space<vmem>>[vector<16xi32>, vector<16xi32>], vector<16xf32>,
      %gather3A_527 = tpu.vector_load_idx %arg13[%add3A_332, %broadcast_in_dim3A_525] : memref<512x32xf32, #tpu.memory_space<vmem>>[vector<16xi32>, vector<16xi32>], vector<16xf32>,
      %gather3A_528 = tpu.vector_load_idx %arg14[%add3A_332, %broadcast_in_dim3A_525] : memref<512x32xf32, #tpu.memory_space<vmem>>[vector<16xi32>, vector<16xi32>], vector<16xf32>,
      %sub3A_529 = arith.subf %gather3A_526, %gather3A_527 : vector<16xf32>
      %mul3A_530 = arith.mulf %sub3A_529, %gather3A_528 : vector<16xf32>
      %add3A_531 = arith.addf %add3A_523, %mul3A_530 : vector<16xf32>
      %broadcast_in_dim3A_532 = arith.constant 25 : i32
      %broadcast_in_dim3A_533 = vector.broadcast %broadcast_in_dim3A_532 : i32 to vector<16xi32>
      %gather3A_534 = tpu.vector_load_idx %arg12[%add3A_332, %broadcast_in_dim3A_533] : memref<512x32xf32, #tpu.memory_space<vmem>>[vector<16xi32>, vector<16xi32>], vector<16xf32>,
      %gather3A_535 = tpu.vector_load_idx %arg13[%add3A_332, %broadcast_in_dim3A_533] : memref<512x32xf32, #tpu.memory_space<vmem>>[vector<16xi32>, vector<16xi32>], vector<16xf32>,
      %gather3A_536 = tpu.vector_load_idx %arg14[%add3A_332, %broadcast_in_dim3A_533] : memref<512x32xf32, #tpu.memory_space<vmem>>[vector<16xi32>, vector<16xi32>], vector<16xf32>,
      %sub3A_537 = arith.subf %gather3A_534, %gather3A_535 : vector<16xf32>
      %mul3A_538 = arith.mulf %sub3A_537, %gather3A_536 : vector<16xf32>
      %add3A_539 = arith.addf %add3A_531, %mul3A_538 : vector<16xf32>
      %broadcast_in_dim3A_540 = arith.constant 26 : i32
      %broadcast_in_dim3A_541 = vector.broadcast %broadcast_in_dim3A_540 : i32 to vector<16xi32>
      %gather3A_542 = tpu.vector_load_idx %arg12[%add3A_332, %broadcast_in_dim3A_541] : memref<512x32xf32, #tpu.memory_space<vmem>>[vector<16xi32>, vector<16xi32>], vector<16xf32>,
      %gather3A_543 = tpu.vector_load_idx %arg13[%add3A_332, %broadcast_in_dim3A_541] : memref<512x32xf32, #tpu.memory_space<vmem>>[vector<16xi32>, vector<16xi32>], vector<16xf32>,
      %gather3A_544 = tpu.vector_load_idx %arg14[%add3A_332, %broadcast_in_dim3A_541] : memref<512x32xf32, #tpu.memory_space<vmem>>[vector<16xi32>, vector<16xi32>], vector<16xf32>,
      %sub3A_545 = arith.subf %gather3A_542, %gather3A_543 : vector<16xf32>
      %mul3A_546 = arith.mulf %sub3A_545, %gather3A_544 : vector<16xf32>
      %add3A_547 = arith.addf %add3A_539, %mul3A_546 : vector<16xf32>
      %broadcast_in_dim3A_548 = arith.constant 27 : i32
      %broadcast_in_dim3A_549 = vector.broadcast %broadcast_in_dim3A_548 : i32 to vector<16xi32>
      %gather3A_550 = tpu.vector_load_idx %arg12[%add3A_332, %broadcast_in_dim3A_549] : memref<512x32xf32, #tpu.memory_space<vmem>>[vector<16xi32>, vector<16xi32>], vector<16xf32>,
      %gather3A_551 = tpu.vector_load_idx %arg13[%add3A_332, %broadcast_in_dim3A_549] : memref<512x32xf32, #tpu.memory_space<vmem>>[vector<16xi32>, vector<16xi32>], vector<16xf32>,
      %gather3A_552 = tpu.vector_load_idx %arg14[%add3A_332, %broadcast_in_dim3A_549] : memref<512x32xf32, #tpu.memory_space<vmem>>[vector<16xi32>, vector<16xi32>], vector<16xf32>,
      %sub3A_553 = arith.subf %gather3A_550, %gather3A_551 : vector<16xf32>
      %mul3A_554 = arith.mulf %sub3A_553, %gather3A_552 : vector<16xf32>
      %add3A_555 = arith.addf %add3A_547, %mul3A_554 : vector<16xf32>
      %broadcast_in_dim3A_556 = arith.constant 28 : i32
      %broadcast_in_dim3A_557 = vector.broadcast %broadcast_in_dim3A_556 : i32 to vector<16xi32>
      %gather3A_558 = tpu.vector_load_idx %arg12[%add3A_332, %broadcast_in_dim3A_557] : memref<512x32xf32, #tpu.memory_space<vmem>>[vector<16xi32>, vector<16xi32>], vector<16xf32>,
      %gather3A_559 = tpu.vector_load_idx %arg13[%add3A_332, %broadcast_in_dim3A_557] : memref<512x32xf32, #tpu.memory_space<vmem>>[vector<16xi32>, vector<16xi32>], vector<16xf32>,
      %gather3A_560 = tpu.vector_load_idx %arg14[%add3A_332, %broadcast_in_dim3A_557] : memref<512x32xf32, #tpu.memory_space<vmem>>[vector<16xi32>, vector<16xi32>], vector<16xf32>,
      %sub3A_561 = arith.subf %gather3A_558, %gather3A_559 : vector<16xf32>
      %mul3A_562 = arith.mulf %sub3A_561, %gather3A_560 : vector<16xf32>
      %add3A_563 = arith.addf %add3A_555, %mul3A_562 : vector<16xf32>
      %broadcast_in_dim3A_564 = arith.constant 29 : i32
      %broadcast_in_dim3A_565 = vector.broadcast %broadcast_in_dim3A_564 : i32 to vector<16xi32>
      %gather3A_566 = tpu.vector_load_idx %arg12[%add3A_332, %broadcast_in_dim3A_565] : memref<512x32xf32, #tpu.memory_space<vmem>>[vector<16xi32>, vector<16xi32>], vector<16xf32>,
      %gather3A_567 = tpu.vector_load_idx %arg13[%add3A_332, %broadcast_in_dim3A_565] : memref<512x32xf32, #tpu.memory_space<vmem>>[vector<16xi32>, vector<16xi32>], vector<16xf32>,
      %gather3A_568 = tpu.vector_load_idx %arg14[%add3A_332, %broadcast_in_dim3A_565] : memref<512x32xf32, #tpu.memory_space<vmem>>[vector<16xi32>, vector<16xi32>], vector<16xf32>,
      %sub3A_569 = arith.subf %gather3A_566, %gather3A_567 : vector<16xf32>
      %mul3A_570 = arith.mulf %sub3A_569, %gather3A_568 : vector<16xf32>
      %add3A_571 = arith.addf %add3A_563, %mul3A_570 : vector<16xf32>
      %broadcast_in_dim3A_572 = arith.constant 30 : i32
      %broadcast_in_dim3A_573 = vector.broadcast %broadcast_in_dim3A_572 : i32 to vector<16xi32>
      %gather3A_574 = tpu.vector_load_idx %arg12[%add3A_332, %broadcast_in_dim3A_573] : memref<512x32xf32, #tpu.memory_space<vmem>>[vector<16xi32>, vector<16xi32>], vector<16xf32>,
      %gather3A_575 = tpu.vector_load_idx %arg13[%add3A_332, %broadcast_in_dim3A_573] : memref<512x32xf32, #tpu.memory_space<vmem>>[vector<16xi32>, vector<16xi32>], vector<16xf32>,
      %gather3A_576 = tpu.vector_load_idx %arg14[%add3A_332, %broadcast_in_dim3A_573] : memref<512x32xf32, #tpu.memory_space<vmem>>[vector<16xi32>, vector<16xi32>], vector<16xf32>,
      %sub3A_577 = arith.subf %gather3A_574, %gather3A_575 : vector<16xf32>
      %mul3A_578 = arith.mulf %sub3A_577, %gather3A_576 : vector<16xf32>
      %add3A_579 = arith.addf %add3A_571, %mul3A_578 : vector<16xf32>
      %broadcast_in_dim3A_580 = arith.constant 31 : i32
      %broadcast_in_dim3A_581 = vector.broadcast %broadcast_in_dim3A_580 : i32 to vector<16xi32>
      %gather3A_582 = tpu.vector_load_idx %arg12[%add3A_332, %broadcast_in_dim3A_581] : memref<512x32xf32, #tpu.memory_space<vmem>>[vector<16xi32>, vector<16xi32>], vector<16xf32>,
      %gather3A_583 = tpu.vector_load_idx %arg13[%add3A_332, %broadcast_in_dim3A_581] : memref<512x32xf32, #tpu.memory_space<vmem>>[vector<16xi32>, vector<16xi32>], vector<16xf32>,
      %gather3A_584 = tpu.vector_load_idx %arg14[%add3A_332, %broadcast_in_dim3A_581] : memref<512x32xf32, #tpu.memory_space<vmem>>[vector<16xi32>, vector<16xi32>], vector<16xf32>,
      %sub3A_585 = arith.subf %gather3A_582, %gather3A_583 : vector<16xf32>
      %mul3A_586 = arith.mulf %sub3A_585, %gather3A_584 : vector<16xf32>
      %add3A_587 = arith.addf %add3A_579, %mul3A_586 : vector<16xf32>
      %broadcast_in_dim3A_588 = arith.constant 0 : i32
      %broadcast_in_dim3A_589 = vector.broadcast %broadcast_in_dim3A_588 : i32 to vector<16xi32>
      %gather3A_590 = tpu.vector_load_idx %arg12[%add3A_332, %broadcast_in_dim3A_589] : memref<512x32xf32, #tpu.memory_space<vmem>>[vector<16xi32>, vector<16xi32>], vector<16xf32>,
      %gather3A_591 = tpu.vector_load_idx %arg13[%add3A_332, %broadcast_in_dim3A_589] : memref<512x32xf32, #tpu.memory_space<vmem>>[vector<16xi32>, vector<16xi32>], vector<16xf32>,
      %gather3A_592 = tpu.vector_load_idx %arg14[%add3A_332, %broadcast_in_dim3A_589] : memref<512x32xf32, #tpu.memory_space<vmem>>[vector<16xi32>, vector<16xi32>], vector<16xf32>,
      %gather3A_593 = tpu.vector_load_idx %arg15[%add3A_332, %broadcast_in_dim3A_589] : memref<512x32xf32, #tpu.memory_space<vmem>>[vector<16xi32>, vector<16xi32>], vector<16xf32>,
      %sub3A_594 = arith.subf %gather3A_590, %gather3A_591 : vector<16xf32>
      %add3A_595 = arith.addf %sub3A_594, %gather3A_593 : vector<16xf32>
      %mul3A_596 = arith.mulf %gather3A_592, %add3A_587 : vector<16xf32>
      %sub3A_597 = arith.subf %add3A_595, %mul3A_596 : vector<16xf32>
      tpu.vector_store_idx %arg16[%add3A_332, %broadcast_in_dim3A_589], %sub3A_597 : memref<512x32xf32, #tpu.memory_space<vmem>>[vector<16xi32>, vector<16xi32>], vector<16xf32>,
      %broadcast_in_dim3A_598 = arith.constant 1 : i32
      %broadcast_in_dim3A_599 = vector.broadcast %broadcast_in_dim3A_598 : i32 to vector<16xi32>
      %gather3A_600 = tpu.vector_load_idx %arg12[%add3A_332, %broadcast_in_dim3A_599] : memref<512x32xf32, #tpu.memory_space<vmem>>[vector<16xi32>, vector<16xi32>], vector<16xf32>,
      %gather3A_601 = tpu.vector_load_idx %arg13[%add3A_332, %broadcast_in_dim3A_599] : memref<512x32xf32, #tpu.memory_space<vmem>>[vector<16xi32>, vector<16xi32>], vector<16xf32>,
      %gather3A_602 = tpu.vector_load_idx %arg14[%add3A_332, %broadcast_in_dim3A_599] : memref<512x32xf32, #tpu.memory_space<vmem>>[vector<16xi32>, vector<16xi32>], vector<16xf32>,
      %gather3A_603 = tpu.vector_load_idx %arg15[%add3A_332, %broadcast_in_dim3A_599] : memref<512x32xf32, #tpu.memory_space<vmem>>[vector<16xi32>, vector<16xi32>], vector<16xf32>,
      %sub3A_604 = arith.subf %gather3A_600, %gather3A_601 : vector<16xf32>
      %add3A_605 = arith.addf %sub3A_604, %gather3A_603 : vector<16xf32>
      %mul3A_606 = arith.mulf %gather3A_602, %add3A_587 : vector<16xf32>
      %sub3A_607 = arith.subf %add3A_605, %mul3A_606 : vector<16xf32>
      tpu.vector_store_idx %arg16[%add3A_332, %broadcast_in_dim3A_599], %sub3A_607 : memref<512x32xf32, #tpu.memory_space<vmem>>[vector<16xi32>, vector<16xi32>], vector<16xf32>,
      %broadcast_in_dim3A_608 = arith.constant 2 : i32
      %broadcast_in_dim3A_609 = vector.broadcast %broadcast_in_dim3A_608 : i32 to vector<16xi32>
      %gather3A_610 = tpu.vector_load_idx %arg12[%add3A_332, %broadcast_in_dim3A_609] : memref<512x32xf32, #tpu.memory_space<vmem>>[vector<16xi32>, vector<16xi32>], vector<16xf32>,
      %gather3A_611 = tpu.vector_load_idx %arg13[%add3A_332, %broadcast_in_dim3A_609] : memref<512x32xf32, #tpu.memory_space<vmem>>[vector<16xi32>, vector<16xi32>], vector<16xf32>,
      %gather3A_612 = tpu.vector_load_idx %arg14[%add3A_332, %broadcast_in_dim3A_609] : memref<512x32xf32, #tpu.memory_space<vmem>>[vector<16xi32>, vector<16xi32>], vector<16xf32>,
      %gather3A_613 = tpu.vector_load_idx %arg15[%add3A_332, %broadcast_in_dim3A_609] : memref<512x32xf32, #tpu.memory_space<vmem>>[vector<16xi32>, vector<16xi32>], vector<16xf32>,
      %sub3A_614 = arith.subf %gather3A_610, %gather3A_611 : vector<16xf32>
      %add3A_615 = arith.addf %sub3A_614, %gather3A_613 : vector<16xf32>
      %mul3A_616 = arith.mulf %gather3A_612, %add3A_587 : vector<16xf32>
      %sub3A_617 = arith.subf %add3A_615, %mul3A_616 : vector<16xf32>
      tpu.vector_store_idx %arg16[%add3A_332, %broadcast_in_dim3A_609], %sub3A_617 : memref<512x32xf32, #tpu.memory_space<vmem>>[vector<16xi32>, vector<16xi32>], vector<16xf32>,
      %broadcast_in_dim3A_618 = arith.constant 3 : i32
      %broadcast_in_dim3A_619 = vector.broadcast %broadcast_in_dim3A_618 : i32 to vector<16xi32>
      %gather3A_620 = tpu.vector_load_idx %arg12[%add3A_332, %broadcast_in_dim3A_619] : memref<512x32xf32, #tpu.memory_space<vmem>>[vector<16xi32>, vector<16xi32>], vector<16xf32>,
      %gather3A_621 = tpu.vector_load_idx %arg13[%add3A_332, %broadcast_in_dim3A_619] : memref<512x32xf32, #tpu.memory_space<vmem>>[vector<16xi32>, vector<16xi32>], vector<16xf32>,
      %gather3A_622 = tpu.vector_load_idx %arg14[%add3A_332, %broadcast_in_dim3A_619] : memref<512x32xf32, #tpu.memory_space<vmem>>[vector<16xi32>, vector<16xi32>], vector<16xf32>,
      %gather3A_623 = tpu.vector_load_idx %arg15[%add3A_332, %broadcast_in_dim3A_619] : memref<512x32xf32, #tpu.memory_space<vmem>>[vector<16xi32>, vector<16xi32>], vector<16xf32>,
      %sub3A_624 = arith.subf %gather3A_620, %gather3A_621 : vector<16xf32>
      %add3A_625 = arith.addf %sub3A_624, %gather3A_623 : vector<16xf32>
      %mul3A_626 = arith.mulf %gather3A_622, %add3A_587 : vector<16xf32>
      %sub3A_627 = arith.subf %add3A_625, %mul3A_626 : vector<16xf32>
      tpu.vector_store_idx %arg16[%add3A_332, %broadcast_in_dim3A_619], %sub3A_627 : memref<512x32xf32, #tpu.memory_space<vmem>>[vector<16xi32>, vector<16xi32>], vector<16xf32>,
      %broadcast_in_dim3A_628 = arith.constant 4 : i32
      %broadcast_in_dim3A_629 = vector.broadcast %broadcast_in_dim3A_628 : i32 to vector<16xi32>
      %gather3A_630 = tpu.vector_load_idx %arg12[%add3A_332, %broadcast_in_dim3A_629] : memref<512x32xf32, #tpu.memory_space<vmem>>[vector<16xi32>, vector<16xi32>], vector<16xf32>,
      %gather3A_631 = tpu.vector_load_idx %arg13[%add3A_332, %broadcast_in_dim3A_629] : memref<512x32xf32, #tpu.memory_space<vmem>>[vector<16xi32>, vector<16xi32>], vector<16xf32>,
      %gather3A_632 = tpu.vector_load_idx %arg14[%add3A_332, %broadcast_in_dim3A_629] : memref<512x32xf32, #tpu.memory_space<vmem>>[vector<16xi32>, vector<16xi32>], vector<16xf32>,
      %gather3A_633 = tpu.vector_load_idx %arg15[%add3A_332, %broadcast_in_dim3A_629] : memref<512x32xf32, #tpu.memory_space<vmem>>[vector<16xi32>, vector<16xi32>], vector<16xf32>,
      %sub3A_634 = arith.subf %gather3A_630, %gather3A_631 : vector<16xf32>
      %add3A_635 = arith.addf %sub3A_634, %gather3A_633 : vector<16xf32>
      %mul3A_636 = arith.mulf %gather3A_632, %add3A_587 : vector<16xf32>
      %sub3A_637 = arith.subf %add3A_635, %mul3A_636 : vector<16xf32>
      tpu.vector_store_idx %arg16[%add3A_332, %broadcast_in_dim3A_629], %sub3A_637 : memref<512x32xf32, #tpu.memory_space<vmem>>[vector<16xi32>, vector<16xi32>], vector<16xf32>,
      %broadcast_in_dim3A_638 = arith.constant 5 : i32
      %broadcast_in_dim3A_639 = vector.broadcast %broadcast_in_dim3A_638 : i32 to vector<16xi32>
      %gather3A_640 = tpu.vector_load_idx %arg12[%add3A_332, %broadcast_in_dim3A_639] : memref<512x32xf32, #tpu.memory_space<vmem>>[vector<16xi32>, vector<16xi32>], vector<16xf32>,
      %gather3A_641 = tpu.vector_load_idx %arg13[%add3A_332, %broadcast_in_dim3A_639] : memref<512x32xf32, #tpu.memory_space<vmem>>[vector<16xi32>, vector<16xi32>], vector<16xf32>,
      %gather3A_642 = tpu.vector_load_idx %arg14[%add3A_332, %broadcast_in_dim3A_639] : memref<512x32xf32, #tpu.memory_space<vmem>>[vector<16xi32>, vector<16xi32>], vector<16xf32>,
      %gather3A_643 = tpu.vector_load_idx %arg15[%add3A_332, %broadcast_in_dim3A_639] : memref<512x32xf32, #tpu.memory_space<vmem>>[vector<16xi32>, vector<16xi32>], vector<16xf32>,
      %sub3A_644 = arith.subf %gather3A_640, %gather3A_641 : vector<16xf32>
      %add3A_645 = arith.addf %sub3A_644, %gather3A_643 : vector<16xf32>
      %mul3A_646 = arith.mulf %gather3A_642, %add3A_587 : vector<16xf32>
      %sub3A_647 = arith.subf %add3A_645, %mul3A_646 : vector<16xf32>
      tpu.vector_store_idx %arg16[%add3A_332, %broadcast_in_dim3A_639], %sub3A_647 : memref<512x32xf32, #tpu.memory_space<vmem>>[vector<16xi32>, vector<16xi32>], vector<16xf32>,
      %broadcast_in_dim3A_648 = arith.constant 6 : i32
      %broadcast_in_dim3A_649 = vector.broadcast %broadcast_in_dim3A_648 : i32 to vector<16xi32>
      %gather3A_650 = tpu.vector_load_idx %arg12[%add3A_332, %broadcast_in_dim3A_649] : memref<512x32xf32, #tpu.memory_space<vmem>>[vector<16xi32>, vector<16xi32>], vector<16xf32>,
      %gather3A_651 = tpu.vector_load_idx %arg13[%add3A_332, %broadcast_in_dim3A_649] : memref<512x32xf32, #tpu.memory_space<vmem>>[vector<16xi32>, vector<16xi32>], vector<16xf32>,
      %gather3A_652 = tpu.vector_load_idx %arg14[%add3A_332, %broadcast_in_dim3A_649] : memref<512x32xf32, #tpu.memory_space<vmem>>[vector<16xi32>, vector<16xi32>], vector<16xf32>,
      %gather3A_653 = tpu.vector_load_idx %arg15[%add3A_332, %broadcast_in_dim3A_649] : memref<512x32xf32, #tpu.memory_space<vmem>>[vector<16xi32>, vector<16xi32>], vector<16xf32>,
      %sub3A_654 = arith.subf %gather3A_650, %gather3A_651 : vector<16xf32>
      %add3A_655 = arith.addf %sub3A_654, %gather3A_653 : vector<16xf32>
      %mul3A_656 = arith.mulf %gather3A_652, %add3A_587 : vector<16xf32>
      %sub3A_657 = arith.subf %add3A_655, %mul3A_656 : vector<16xf32>
      tpu.vector_store_idx %arg16[%add3A_332, %broadcast_in_dim3A_649], %sub3A_657 : memref<512x32xf32, #tpu.memory_space<vmem>>[vector<16xi32>, vector<16xi32>], vector<16xf32>,
      %broadcast_in_dim3A_658 = arith.constant 7 : i32
      %broadcast_in_dim3A_659 = vector.broadcast %broadcast_in_dim3A_658 : i32 to vector<16xi32>
      %gather3A_660 = tpu.vector_load_idx %arg12[%add3A_332, %broadcast_in_dim3A_659] : memref<512x32xf32, #tpu.memory_space<vmem>>[vector<16xi32>, vector<16xi32>], vector<16xf32>,
      %gather3A_661 = tpu.vector_load_idx %arg13[%add3A_332, %broadcast_in_dim3A_659] : memref<512x32xf32, #tpu.memory_space<vmem>>[vector<16xi32>, vector<16xi32>], vector<16xf32>,
      %gather3A_662 = tpu.vector_load_idx %arg14[%add3A_332, %broadcast_in_dim3A_659] : memref<512x32xf32, #tpu.memory_space<vmem>>[vector<16xi32>, vector<16xi32>], vector<16xf32>,
      %gather3A_663 = tpu.vector_load_idx %arg15[%add3A_332, %broadcast_in_dim3A_659] : memref<512x32xf32, #tpu.memory_space<vmem>>[vector<16xi32>, vector<16xi32>], vector<16xf32>,
      %sub3A_664 = arith.subf %gather3A_660, %gather3A_661 : vector<16xf32>
      %add3A_665 = arith.addf %sub3A_664, %gather3A_663 : vector<16xf32>
      %mul3A_666 = arith.mulf %gather3A_662, %add3A_587 : vector<16xf32>
      %sub3A_667 = arith.subf %add3A_665, %mul3A_666 : vector<16xf32>
      tpu.vector_store_idx %arg16[%add3A_332, %broadcast_in_dim3A_659], %sub3A_667 : memref<512x32xf32, #tpu.memory_space<vmem>>[vector<16xi32>, vector<16xi32>], vector<16xf32>,
      %broadcast_in_dim3A_668 = arith.constant 8 : i32
      %broadcast_in_dim3A_669 = vector.broadcast %broadcast_in_dim3A_668 : i32 to vector<16xi32>
      %gather3A_670 = tpu.vector_load_idx %arg12[%add3A_332, %broadcast_in_dim3A_669] : memref<512x32xf32, #tpu.memory_space<vmem>>[vector<16xi32>, vector<16xi32>], vector<16xf32>,
      %gather3A_671 = tpu.vector_load_idx %arg13[%add3A_332, %broadcast_in_dim3A_669] : memref<512x32xf32, #tpu.memory_space<vmem>>[vector<16xi32>, vector<16xi32>], vector<16xf32>,
      %gather3A_672 = tpu.vector_load_idx %arg14[%add3A_332, %broadcast_in_dim3A_669] : memref<512x32xf32, #tpu.memory_space<vmem>>[vector<16xi32>, vector<16xi32>], vector<16xf32>,
      %gather3A_673 = tpu.vector_load_idx %arg15[%add3A_332, %broadcast_in_dim3A_669] : memref<512x32xf32, #tpu.memory_space<vmem>>[vector<16xi32>, vector<16xi32>], vector<16xf32>,
      %sub3A_674 = arith.subf %gather3A_670, %gather3A_671 : vector<16xf32>
      %add3A_675 = arith.addf %sub3A_674, %gather3A_673 : vector<16xf32>
      %mul3A_676 = arith.mulf %gather3A_672, %add3A_587 : vector<16xf32>
      %sub3A_677 = arith.subf %add3A_675, %mul3A_676 : vector<16xf32>
      tpu.vector_store_idx %arg16[%add3A_332, %broadcast_in_dim3A_669], %sub3A_677 : memref<512x32xf32, #tpu.memory_space<vmem>>[vector<16xi32>, vector<16xi32>], vector<16xf32>,
      %broadcast_in_dim3A_678 = arith.constant 9 : i32
      %broadcast_in_dim3A_679 = vector.broadcast %broadcast_in_dim3A_678 : i32 to vector<16xi32>
      %gather3A_680 = tpu.vector_load_idx %arg12[%add3A_332, %broadcast_in_dim3A_679] : memref<512x32xf32, #tpu.memory_space<vmem>>[vector<16xi32>, vector<16xi32>], vector<16xf32>,
      %gather3A_681 = tpu.vector_load_idx %arg13[%add3A_332, %broadcast_in_dim3A_679] : memref<512x32xf32, #tpu.memory_space<vmem>>[vector<16xi32>, vector<16xi32>], vector<16xf32>,
      %gather3A_682 = tpu.vector_load_idx %arg14[%add3A_332, %broadcast_in_dim3A_679] : memref<512x32xf32, #tpu.memory_space<vmem>>[vector<16xi32>, vector<16xi32>], vector<16xf32>,
      %gather3A_683 = tpu.vector_load_idx %arg15[%add3A_332, %broadcast_in_dim3A_679] : memref<512x32xf32, #tpu.memory_space<vmem>>[vector<16xi32>, vector<16xi32>], vector<16xf32>,
      %sub3A_684 = arith.subf %gather3A_680, %gather3A_681 : vector<16xf32>
      %add3A_685 = arith.addf %sub3A_684, %gather3A_683 : vector<16xf32>
      %mul3A_686 = arith.mulf %gather3A_682, %add3A_587 : vector<16xf32>
      %sub3A_687 = arith.subf %add3A_685, %mul3A_686 : vector<16xf32>
      tpu.vector_store_idx %arg16[%add3A_332, %broadcast_in_dim3A_679], %sub3A_687 : memref<512x32xf32, #tpu.memory_space<vmem>>[vector<16xi32>, vector<16xi32>], vector<16xf32>,
      %broadcast_in_dim3A_688 = arith.constant 10 : i32
      %broadcast_in_dim3A_689 = vector.broadcast %broadcast_in_dim3A_688 : i32 to vector<16xi32>
      %gather3A_690 = tpu.vector_load_idx %arg12[%add3A_332, %broadcast_in_dim3A_689] : memref<512x32xf32, #tpu.memory_space<vmem>>[vector<16xi32>, vector<16xi32>], vector<16xf32>,
      %gather3A_691 = tpu.vector_load_idx %arg13[%add3A_332, %broadcast_in_dim3A_689] : memref<512x32xf32, #tpu.memory_space<vmem>>[vector<16xi32>, vector<16xi32>], vector<16xf32>,
      %gather3A_692 = tpu.vector_load_idx %arg14[%add3A_332, %broadcast_in_dim3A_689] : memref<512x32xf32, #tpu.memory_space<vmem>>[vector<16xi32>, vector<16xi32>], vector<16xf32>,
      %gather3A_693 = tpu.vector_load_idx %arg15[%add3A_332, %broadcast_in_dim3A_689] : memref<512x32xf32, #tpu.memory_space<vmem>>[vector<16xi32>, vector<16xi32>], vector<16xf32>,
      %sub3A_694 = arith.subf %gather3A_690, %gather3A_691 : vector<16xf32>
      %add3A_695 = arith.addf %sub3A_694, %gather3A_693 : vector<16xf32>
      %mul3A_696 = arith.mulf %gather3A_692, %add3A_587 : vector<16xf32>
      %sub3A_697 = arith.subf %add3A_695, %mul3A_696 : vector<16xf32>
      tpu.vector_store_idx %arg16[%add3A_332, %broadcast_in_dim3A_689], %sub3A_697 : memref<512x32xf32, #tpu.memory_space<vmem>>[vector<16xi32>, vector<16xi32>], vector<16xf32>,
      %broadcast_in_dim3A_698 = arith.constant 11 : i32
      %broadcast_in_dim3A_699 = vector.broadcast %broadcast_in_dim3A_698 : i32 to vector<16xi32>
      %gather3A_700 = tpu.vector_load_idx %arg12[%add3A_332, %broadcast_in_dim3A_699] : memref<512x32xf32, #tpu.memory_space<vmem>>[vector<16xi32>, vector<16xi32>], vector<16xf32>,
      %gather3A_701 = tpu.vector_load_idx %arg13[%add3A_332, %broadcast_in_dim3A_699] : memref<512x32xf32, #tpu.memory_space<vmem>>[vector<16xi32>, vector<16xi32>], vector<16xf32>,
      %gather3A_702 = tpu.vector_load_idx %arg14[%add3A_332, %broadcast_in_dim3A_699] : memref<512x32xf32, #tpu.memory_space<vmem>>[vector<16xi32>, vector<16xi32>], vector<16xf32>,
      %gather3A_703 = tpu.vector_load_idx %arg15[%add3A_332, %broadcast_in_dim3A_699] : memref<512x32xf32, #tpu.memory_space<vmem>>[vector<16xi32>, vector<16xi32>], vector<16xf32>,
      %sub3A_704 = arith.subf %gather3A_700, %gather3A_701 : vector<16xf32>
      %add3A_705 = arith.addf %sub3A_704, %gather3A_703 : vector<16xf32>
      %mul3A_706 = arith.mulf %gather3A_702, %add3A_587 : vector<16xf32>
      %sub3A_707 = arith.subf %add3A_705, %mul3A_706 : vector<16xf32>
      tpu.vector_store_idx %arg16[%add3A_332, %broadcast_in_dim3A_699], %sub3A_707 : memref<512x32xf32, #tpu.memory_space<vmem>>[vector<16xi32>, vector<16xi32>], vector<16xf32>,
      %broadcast_in_dim3A_708 = arith.constant 12 : i32
      %broadcast_in_dim3A_709 = vector.broadcast %broadcast_in_dim3A_708 : i32 to vector<16xi32>
      %gather3A_710 = tpu.vector_load_idx %arg12[%add3A_332, %broadcast_in_dim3A_709] : memref<512x32xf32, #tpu.memory_space<vmem>>[vector<16xi32>, vector<16xi32>], vector<16xf32>,
      %gather3A_711 = tpu.vector_load_idx %arg13[%add3A_332, %broadcast_in_dim3A_709] : memref<512x32xf32, #tpu.memory_space<vmem>>[vector<16xi32>, vector<16xi32>], vector<16xf32>,
      %gather3A_712 = tpu.vector_load_idx %arg14[%add3A_332, %broadcast_in_dim3A_709] : memref<512x32xf32, #tpu.memory_space<vmem>>[vector<16xi32>, vector<16xi32>], vector<16xf32>,
      %gather3A_713 = tpu.vector_load_idx %arg15[%add3A_332, %broadcast_in_dim3A_709] : memref<512x32xf32, #tpu.memory_space<vmem>>[vector<16xi32>, vector<16xi32>], vector<16xf32>,
      %sub3A_714 = arith.subf %gather3A_710, %gather3A_711 : vector<16xf32>
      %add3A_715 = arith.addf %sub3A_714, %gather3A_713 : vector<16xf32>
      %mul3A_716 = arith.mulf %gather3A_712, %add3A_587 : vector<16xf32>
      %sub3A_717 = arith.subf %add3A_715, %mul3A_716 : vector<16xf32>
      tpu.vector_store_idx %arg16[%add3A_332, %broadcast_in_dim3A_709], %sub3A_717 : memref<512x32xf32, #tpu.memory_space<vmem>>[vector<16xi32>, vector<16xi32>], vector<16xf32>,
      %broadcast_in_dim3A_718 = arith.constant 13 : i32
      %broadcast_in_dim3A_719 = vector.broadcast %broadcast_in_dim3A_718 : i32 to vector<16xi32>
      %gather3A_720 = tpu.vector_load_idx %arg12[%add3A_332, %broadcast_in_dim3A_719] : memref<512x32xf32, #tpu.memory_space<vmem>>[vector<16xi32>, vector<16xi32>], vector<16xf32>,
      %gather3A_721 = tpu.vector_load_idx %arg13[%add3A_332, %broadcast_in_dim3A_719] : memref<512x32xf32, #tpu.memory_space<vmem>>[vector<16xi32>, vector<16xi32>], vector<16xf32>,
      %gather3A_722 = tpu.vector_load_idx %arg14[%add3A_332, %broadcast_in_dim3A_719] : memref<512x32xf32, #tpu.memory_space<vmem>>[vector<16xi32>, vector<16xi32>], vector<16xf32>,
      %gather3A_723 = tpu.vector_load_idx %arg15[%add3A_332, %broadcast_in_dim3A_719] : memref<512x32xf32, #tpu.memory_space<vmem>>[vector<16xi32>, vector<16xi32>], vector<16xf32>,
      %sub3A_724 = arith.subf %gather3A_720, %gather3A_721 : vector<16xf32>
      %add3A_725 = arith.addf %sub3A_724, %gather3A_723 : vector<16xf32>
      %mul3A_726 = arith.mulf %gather3A_722, %add3A_587 : vector<16xf32>
      %sub3A_727 = arith.subf %add3A_725, %mul3A_726 : vector<16xf32>
      tpu.vector_store_idx %arg16[%add3A_332, %broadcast_in_dim3A_719], %sub3A_727 : memref<512x32xf32, #tpu.memory_space<vmem>>[vector<16xi32>, vector<16xi32>], vector<16xf32>,
      %broadcast_in_dim3A_728 = arith.constant 14 : i32
      %broadcast_in_dim3A_729 = vector.broadcast %broadcast_in_dim3A_728 : i32 to vector<16xi32>
      %gather3A_730 = tpu.vector_load_idx %arg12[%add3A_332, %broadcast_in_dim3A_729] : memref<512x32xf32, #tpu.memory_space<vmem>>[vector<16xi32>, vector<16xi32>], vector<16xf32>,
      %gather3A_731 = tpu.vector_load_idx %arg13[%add3A_332, %broadcast_in_dim3A_729] : memref<512x32xf32, #tpu.memory_space<vmem>>[vector<16xi32>, vector<16xi32>], vector<16xf32>,
      %gather3A_732 = tpu.vector_load_idx %arg14[%add3A_332, %broadcast_in_dim3A_729] : memref<512x32xf32, #tpu.memory_space<vmem>>[vector<16xi32>, vector<16xi32>], vector<16xf32>,
      %gather3A_733 = tpu.vector_load_idx %arg15[%add3A_332, %broadcast_in_dim3A_729] : memref<512x32xf32, #tpu.memory_space<vmem>>[vector<16xi32>, vector<16xi32>], vector<16xf32>,
      %sub3A_734 = arith.subf %gather3A_730, %gather3A_731 : vector<16xf32>
      %add3A_735 = arith.addf %sub3A_734, %gather3A_733 : vector<16xf32>
      %mul3A_736 = arith.mulf %gather3A_732, %add3A_587 : vector<16xf32>
      %sub3A_737 = arith.subf %add3A_735, %mul3A_736 : vector<16xf32>
      tpu.vector_store_idx %arg16[%add3A_332, %broadcast_in_dim3A_729], %sub3A_737 : memref<512x32xf32, #tpu.memory_space<vmem>>[vector<16xi32>, vector<16xi32>], vector<16xf32>,
      %broadcast_in_dim3A_738 = arith.constant 15 : i32
      %broadcast_in_dim3A_739 = vector.broadcast %broadcast_in_dim3A_738 : i32 to vector<16xi32>
      %gather3A_740 = tpu.vector_load_idx %arg12[%add3A_332, %broadcast_in_dim3A_739] : memref<512x32xf32, #tpu.memory_space<vmem>>[vector<16xi32>, vector<16xi32>], vector<16xf32>,
      %gather3A_741 = tpu.vector_load_idx %arg13[%add3A_332, %broadcast_in_dim3A_739] : memref<512x32xf32, #tpu.memory_space<vmem>>[vector<16xi32>, vector<16xi32>], vector<16xf32>,
      %gather3A_742 = tpu.vector_load_idx %arg14[%add3A_332, %broadcast_in_dim3A_739] : memref<512x32xf32, #tpu.memory_space<vmem>>[vector<16xi32>, vector<16xi32>], vector<16xf32>,
      %gather3A_743 = tpu.vector_load_idx %arg15[%add3A_332, %broadcast_in_dim3A_739] : memref<512x32xf32, #tpu.memory_space<vmem>>[vector<16xi32>, vector<16xi32>], vector<16xf32>,
      %sub3A_744 = arith.subf %gather3A_740, %gather3A_741 : vector<16xf32>
      %add3A_745 = arith.addf %sub3A_744, %gather3A_743 : vector<16xf32>
      %mul3A_746 = arith.mulf %gather3A_742, %add3A_587 : vector<16xf32>
      %sub3A_747 = arith.subf %add3A_745, %mul3A_746 : vector<16xf32>
      tpu.vector_store_idx %arg16[%add3A_332, %broadcast_in_dim3A_739], %sub3A_747 : memref<512x32xf32, #tpu.memory_space<vmem>>[vector<16xi32>, vector<16xi32>], vector<16xf32>,
      %broadcast_in_dim3A_748 = arith.constant 16 : i32
      %broadcast_in_dim3A_749 = vector.broadcast %broadcast_in_dim3A_748 : i32 to vector<16xi32>
      %gather3A_750 = tpu.vector_load_idx %arg12[%add3A_332, %broadcast_in_dim3A_749] : memref<512x32xf32, #tpu.memory_space<vmem>>[vector<16xi32>, vector<16xi32>], vector<16xf32>,
      %gather3A_751 = tpu.vector_load_idx %arg13[%add3A_332, %broadcast_in_dim3A_749] : memref<512x32xf32, #tpu.memory_space<vmem>>[vector<16xi32>, vector<16xi32>], vector<16xf32>,
      %gather3A_752 = tpu.vector_load_idx %arg14[%add3A_332, %broadcast_in_dim3A_749] : memref<512x32xf32, #tpu.memory_space<vmem>>[vector<16xi32>, vector<16xi32>], vector<16xf32>,
      %gather3A_753 = tpu.vector_load_idx %arg15[%add3A_332, %broadcast_in_dim3A_749] : memref<512x32xf32, #tpu.memory_space<vmem>>[vector<16xi32>, vector<16xi32>], vector<16xf32>,
      %sub3A_754 = arith.subf %gather3A_750, %gather3A_751 : vector<16xf32>
      %add3A_755 = arith.addf %sub3A_754, %gather3A_753 : vector<16xf32>
      %mul3A_756 = arith.mulf %gather3A_752, %add3A_587 : vector<16xf32>
      %sub3A_757 = arith.subf %add3A_755, %mul3A_756 : vector<16xf32>
      tpu.vector_store_idx %arg16[%add3A_332, %broadcast_in_dim3A_749], %sub3A_757 : memref<512x32xf32, #tpu.memory_space<vmem>>[vector<16xi32>, vector<16xi32>], vector<16xf32>,
      %broadcast_in_dim3A_758 = arith.constant 17 : i32
      %broadcast_in_dim3A_759 = vector.broadcast %broadcast_in_dim3A_758 : i32 to vector<16xi32>
      %gather3A_760 = tpu.vector_load_idx %arg12[%add3A_332, %broadcast_in_dim3A_759] : memref<512x32xf32, #tpu.memory_space<vmem>>[vector<16xi32>, vector<16xi32>], vector<16xf32>,
      %gather3A_761 = tpu.vector_load_idx %arg13[%add3A_332, %broadcast_in_dim3A_759] : memref<512x32xf32, #tpu.memory_space<vmem>>[vector<16xi32>, vector<16xi32>], vector<16xf32>,
      %gather3A_762 = tpu.vector_load_idx %arg14[%add3A_332, %broadcast_in_dim3A_759] : memref<512x32xf32, #tpu.memory_space<vmem>>[vector<16xi32>, vector<16xi32>], vector<16xf32>,
      %gather3A_763 = tpu.vector_load_idx %arg15[%add3A_332, %broadcast_in_dim3A_759] : memref<512x32xf32, #tpu.memory_space<vmem>>[vector<16xi32>, vector<16xi32>], vector<16xf32>,
      %sub3A_764 = arith.subf %gather3A_760, %gather3A_761 : vector<16xf32>
      %add3A_765 = arith.addf %sub3A_764, %gather3A_763 : vector<16xf32>
      %mul3A_766 = arith.mulf %gather3A_762, %add3A_587 : vector<16xf32>
      %sub3A_767 = arith.subf %add3A_765, %mul3A_766 : vector<16xf32>
      tpu.vector_store_idx %arg16[%add3A_332, %broadcast_in_dim3A_759], %sub3A_767 : memref<512x32xf32, #tpu.memory_space<vmem>>[vector<16xi32>, vector<16xi32>], vector<16xf32>,
      %broadcast_in_dim3A_768 = arith.constant 18 : i32
      %broadcast_in_dim3A_769 = vector.broadcast %broadcast_in_dim3A_768 : i32 to vector<16xi32>
      %gather3A_770 = tpu.vector_load_idx %arg12[%add3A_332, %broadcast_in_dim3A_769] : memref<512x32xf32, #tpu.memory_space<vmem>>[vector<16xi32>, vector<16xi32>], vector<16xf32>,
      %gather3A_771 = tpu.vector_load_idx %arg13[%add3A_332, %broadcast_in_dim3A_769] : memref<512x32xf32, #tpu.memory_space<vmem>>[vector<16xi32>, vector<16xi32>], vector<16xf32>,
      %gather3A_772 = tpu.vector_load_idx %arg14[%add3A_332, %broadcast_in_dim3A_769] : memref<512x32xf32, #tpu.memory_space<vmem>>[vector<16xi32>, vector<16xi32>], vector<16xf32>,
      %gather3A_773 = tpu.vector_load_idx %arg15[%add3A_332, %broadcast_in_dim3A_769] : memref<512x32xf32, #tpu.memory_space<vmem>>[vector<16xi32>, vector<16xi32>], vector<16xf32>,
      %sub3A_774 = arith.subf %gather3A_770, %gather3A_771 : vector<16xf32>
      %add3A_775 = arith.addf %sub3A_774, %gather3A_773 : vector<16xf32>
      %mul3A_776 = arith.mulf %gather3A_772, %add3A_587 : vector<16xf32>
      %sub3A_777 = arith.subf %add3A_775, %mul3A_776 : vector<16xf32>
      tpu.vector_store_idx %arg16[%add3A_332, %broadcast_in_dim3A_769], %sub3A_777 : memref<512x32xf32, #tpu.memory_space<vmem>>[vector<16xi32>, vector<16xi32>], vector<16xf32>,
      %broadcast_in_dim3A_778 = arith.constant 19 : i32
      %broadcast_in_dim3A_779 = vector.broadcast %broadcast_in_dim3A_778 : i32 to vector<16xi32>
      %gather3A_780 = tpu.vector_load_idx %arg12[%add3A_332, %broadcast_in_dim3A_779] : memref<512x32xf32, #tpu.memory_space<vmem>>[vector<16xi32>, vector<16xi32>], vector<16xf32>,
      %gather3A_781 = tpu.vector_load_idx %arg13[%add3A_332, %broadcast_in_dim3A_779] : memref<512x32xf32, #tpu.memory_space<vmem>>[vector<16xi32>, vector<16xi32>], vector<16xf32>,
      %gather3A_782 = tpu.vector_load_idx %arg14[%add3A_332, %broadcast_in_dim3A_779] : memref<512x32xf32, #tpu.memory_space<vmem>>[vector<16xi32>, vector<16xi32>], vector<16xf32>,
      %gather3A_783 = tpu.vector_load_idx %arg15[%add3A_332, %broadcast_in_dim3A_779] : memref<512x32xf32, #tpu.memory_space<vmem>>[vector<16xi32>, vector<16xi32>], vector<16xf32>,
      %sub3A_784 = arith.subf %gather3A_780, %gather3A_781 : vector<16xf32>
      %add3A_785 = arith.addf %sub3A_784, %gather3A_783 : vector<16xf32>
      %mul3A_786 = arith.mulf %gather3A_782, %add3A_587 : vector<16xf32>
      %sub3A_787 = arith.subf %add3A_785, %mul3A_786 : vector<16xf32>
      tpu.vector_store_idx %arg16[%add3A_332, %broadcast_in_dim3A_779], %sub3A_787 : memref<512x32xf32, #tpu.memory_space<vmem>>[vector<16xi32>, vector<16xi32>], vector<16xf32>,
      %broadcast_in_dim3A_788 = arith.constant 20 : i32
      %broadcast_in_dim3A_789 = vector.broadcast %broadcast_in_dim3A_788 : i32 to vector<16xi32>
      %gather3A_790 = tpu.vector_load_idx %arg12[%add3A_332, %broadcast_in_dim3A_789] : memref<512x32xf32, #tpu.memory_space<vmem>>[vector<16xi32>, vector<16xi32>], vector<16xf32>,
      %gather3A_791 = tpu.vector_load_idx %arg13[%add3A_332, %broadcast_in_dim3A_789] : memref<512x32xf32, #tpu.memory_space<vmem>>[vector<16xi32>, vector<16xi32>], vector<16xf32>,
      %gather3A_792 = tpu.vector_load_idx %arg14[%add3A_332, %broadcast_in_dim3A_789] : memref<512x32xf32, #tpu.memory_space<vmem>>[vector<16xi32>, vector<16xi32>], vector<16xf32>,
      %gather3A_793 = tpu.vector_load_idx %arg15[%add3A_332, %broadcast_in_dim3A_789] : memref<512x32xf32, #tpu.memory_space<vmem>>[vector<16xi32>, vector<16xi32>], vector<16xf32>,
      %sub3A_794 = arith.subf %gather3A_790, %gather3A_791 : vector<16xf32>
      %add3A_795 = arith.addf %sub3A_794, %gather3A_793 : vector<16xf32>
      %mul3A_796 = arith.mulf %gather3A_792, %add3A_587 : vector<16xf32>
      %sub3A_797 = arith.subf %add3A_795, %mul3A_796 : vector<16xf32>
      tpu.vector_store_idx %arg16[%add3A_332, %broadcast_in_dim3A_789], %sub3A_797 : memref<512x32xf32, #tpu.memory_space<vmem>>[vector<16xi32>, vector<16xi32>], vector<16xf32>,
      %broadcast_in_dim3A_798 = arith.constant 21 : i32
      %broadcast_in_dim3A_799 = vector.broadcast %broadcast_in_dim3A_798 : i32 to vector<16xi32>
      %gather3A_800 = tpu.vector_load_idx %arg12[%add3A_332, %broadcast_in_dim3A_799] : memref<512x32xf32, #tpu.memory_space<vmem>>[vector<16xi32>, vector<16xi32>], vector<16xf32>,
      %gather3A_801 = tpu.vector_load_idx %arg13[%add3A_332, %broadcast_in_dim3A_799] : memref<512x32xf32, #tpu.memory_space<vmem>>[vector<16xi32>, vector<16xi32>], vector<16xf32>,
      %gather3A_802 = tpu.vector_load_idx %arg14[%add3A_332, %broadcast_in_dim3A_799] : memref<512x32xf32, #tpu.memory_space<vmem>>[vector<16xi32>, vector<16xi32>], vector<16xf32>,
      %gather3A_803 = tpu.vector_load_idx %arg15[%add3A_332, %broadcast_in_dim3A_799] : memref<512x32xf32, #tpu.memory_space<vmem>>[vector<16xi32>, vector<16xi32>], vector<16xf32>,
      %sub3A_804 = arith.subf %gather3A_800, %gather3A_801 : vector<16xf32>
      %add3A_805 = arith.addf %sub3A_804, %gather3A_803 : vector<16xf32>
      %mul3A_806 = arith.mulf %gather3A_802, %add3A_587 : vector<16xf32>
      %sub3A_807 = arith.subf %add3A_805, %mul3A_806 : vector<16xf32>
      tpu.vector_store_idx %arg16[%add3A_332, %broadcast_in_dim3A_799], %sub3A_807 : memref<512x32xf32, #tpu.memory_space<vmem>>[vector<16xi32>, vector<16xi32>], vector<16xf32>,
      %broadcast_in_dim3A_808 = arith.constant 22 : i32
      %broadcast_in_dim3A_809 = vector.broadcast %broadcast_in_dim3A_808 : i32 to vector<16xi32>
      %gather3A_810 = tpu.vector_load_idx %arg12[%add3A_332, %broadcast_in_dim3A_809] : memref<512x32xf32, #tpu.memory_space<vmem>>[vector<16xi32>, vector<16xi32>], vector<16xf32>,
      %gather3A_811 = tpu.vector_load_idx %arg13[%add3A_332, %broadcast_in_dim3A_809] : memref<512x32xf32, #tpu.memory_space<vmem>>[vector<16xi32>, vector<16xi32>], vector<16xf32>,
      %gather3A_812 = tpu.vector_load_idx %arg14[%add3A_332, %broadcast_in_dim3A_809] : memref<512x32xf32, #tpu.memory_space<vmem>>[vector<16xi32>, vector<16xi32>], vector<16xf32>,
      %gather3A_813 = tpu.vector_load_idx %arg15[%add3A_332, %broadcast_in_dim3A_809] : memref<512x32xf32, #tpu.memory_space<vmem>>[vector<16xi32>, vector<16xi32>], vector<16xf32>,
      %sub3A_814 = arith.subf %gather3A_810, %gather3A_811 : vector<16xf32>
      %add3A_815 = arith.addf %sub3A_814, %gather3A_813 : vector<16xf32>
      %mul3A_816 = arith.mulf %gather3A_812, %add3A_587 : vector<16xf32>
      %sub3A_817 = arith.subf %add3A_815, %mul3A_816 : vector<16xf32>
      tpu.vector_store_idx %arg16[%add3A_332, %broadcast_in_dim3A_809], %sub3A_817 : memref<512x32xf32, #tpu.memory_space<vmem>>[vector<16xi32>, vector<16xi32>], vector<16xf32>,
      %broadcast_in_dim3A_818 = arith.constant 23 : i32
      %broadcast_in_dim3A_819 = vector.broadcast %broadcast_in_dim3A_818 : i32 to vector<16xi32>
      %gather3A_820 = tpu.vector_load_idx %arg12[%add3A_332, %broadcast_in_dim3A_819] : memref<512x32xf32, #tpu.memory_space<vmem>>[vector<16xi32>, vector<16xi32>], vector<16xf32>,
      %gather3A_821 = tpu.vector_load_idx %arg13[%add3A_332, %broadcast_in_dim3A_819] : memref<512x32xf32, #tpu.memory_space<vmem>>[vector<16xi32>, vector<16xi32>], vector<16xf32>,
      %gather3A_822 = tpu.vector_load_idx %arg14[%add3A_332, %broadcast_in_dim3A_819] : memref<512x32xf32, #tpu.memory_space<vmem>>[vector<16xi32>, vector<16xi32>], vector<16xf32>,
      %gather3A_823 = tpu.vector_load_idx %arg15[%add3A_332, %broadcast_in_dim3A_819] : memref<512x32xf32, #tpu.memory_space<vmem>>[vector<16xi32>, vector<16xi32>], vector<16xf32>,
      %sub3A_824 = arith.subf %gather3A_820, %gather3A_821 : vector<16xf32>
      %add3A_825 = arith.addf %sub3A_824, %gather3A_823 : vector<16xf32>
      %mul3A_826 = arith.mulf %gather3A_822, %add3A_587 : vector<16xf32>
      %sub3A_827 = arith.subf %add3A_825, %mul3A_826 : vector<16xf32>
      tpu.vector_store_idx %arg16[%add3A_332, %broadcast_in_dim3A_819], %sub3A_827 : memref<512x32xf32, #tpu.memory_space<vmem>>[vector<16xi32>, vector<16xi32>], vector<16xf32>,
      %broadcast_in_dim3A_828 = arith.constant 24 : i32
      %broadcast_in_dim3A_829 = vector.broadcast %broadcast_in_dim3A_828 : i32 to vector<16xi32>
      %gather3A_830 = tpu.vector_load_idx %arg12[%add3A_332, %broadcast_in_dim3A_829] : memref<512x32xf32, #tpu.memory_space<vmem>>[vector<16xi32>, vector<16xi32>], vector<16xf32>,
      %gather3A_831 = tpu.vector_load_idx %arg13[%add3A_332, %broadcast_in_dim3A_829] : memref<512x32xf32, #tpu.memory_space<vmem>>[vector<16xi32>, vector<16xi32>], vector<16xf32>,
      %gather3A_832 = tpu.vector_load_idx %arg14[%add3A_332, %broadcast_in_dim3A_829] : memref<512x32xf32, #tpu.memory_space<vmem>>[vector<16xi32>, vector<16xi32>], vector<16xf32>,
      %gather3A_833 = tpu.vector_load_idx %arg15[%add3A_332, %broadcast_in_dim3A_829] : memref<512x32xf32, #tpu.memory_space<vmem>>[vector<16xi32>, vector<16xi32>], vector<16xf32>,
      %sub3A_834 = arith.subf %gather3A_830, %gather3A_831 : vector<16xf32>
      %add3A_835 = arith.addf %sub3A_834, %gather3A_833 : vector<16xf32>
      %mul3A_836 = arith.mulf %gather3A_832, %add3A_587 : vector<16xf32>
      %sub3A_837 = arith.subf %add3A_835, %mul3A_836 : vector<16xf32>
      tpu.vector_store_idx %arg16[%add3A_332, %broadcast_in_dim3A_829], %sub3A_837 : memref<512x32xf32, #tpu.memory_space<vmem>>[vector<16xi32>, vector<16xi32>], vector<16xf32>,
      %broadcast_in_dim3A_838 = arith.constant 25 : i32
      %broadcast_in_dim3A_839 = vector.broadcast %broadcast_in_dim3A_838 : i32 to vector<16xi32>
      %gather3A_840 = tpu.vector_load_idx %arg12[%add3A_332, %broadcast_in_dim3A_839] : memref<512x32xf32, #tpu.memory_space<vmem>>[vector<16xi32>, vector<16xi32>], vector<16xf32>,
      %gather3A_841 = tpu.vector_load_idx %arg13[%add3A_332, %broadcast_in_dim3A_839] : memref<512x32xf32, #tpu.memory_space<vmem>>[vector<16xi32>, vector<16xi32>], vector<16xf32>,
      %gather3A_842 = tpu.vector_load_idx %arg14[%add3A_332, %broadcast_in_dim3A_839] : memref<512x32xf32, #tpu.memory_space<vmem>>[vector<16xi32>, vector<16xi32>], vector<16xf32>,
      %gather3A_843 = tpu.vector_load_idx %arg15[%add3A_332, %broadcast_in_dim3A_839] : memref<512x32xf32, #tpu.memory_space<vmem>>[vector<16xi32>, vector<16xi32>], vector<16xf32>,
      %sub3A_844 = arith.subf %gather3A_840, %gather3A_841 : vector<16xf32>
      %add3A_845 = arith.addf %sub3A_844, %gather3A_843 : vector<16xf32>
      %mul3A_846 = arith.mulf %gather3A_842, %add3A_587 : vector<16xf32>
      %sub3A_847 = arith.subf %add3A_845, %mul3A_846 : vector<16xf32>
      tpu.vector_store_idx %arg16[%add3A_332, %broadcast_in_dim3A_839], %sub3A_847 : memref<512x32xf32, #tpu.memory_space<vmem>>[vector<16xi32>, vector<16xi32>], vector<16xf32>,
      %broadcast_in_dim3A_848 = arith.constant 26 : i32
      %broadcast_in_dim3A_849 = vector.broadcast %broadcast_in_dim3A_848 : i32 to vector<16xi32>
      %gather3A_850 = tpu.vector_load_idx %arg12[%add3A_332, %broadcast_in_dim3A_849] : memref<512x32xf32, #tpu.memory_space<vmem>>[vector<16xi32>, vector<16xi32>], vector<16xf32>,
      %gather3A_851 = tpu.vector_load_idx %arg13[%add3A_332, %broadcast_in_dim3A_849] : memref<512x32xf32, #tpu.memory_space<vmem>>[vector<16xi32>, vector<16xi32>], vector<16xf32>,
      %gather3A_852 = tpu.vector_load_idx %arg14[%add3A_332, %broadcast_in_dim3A_849] : memref<512x32xf32, #tpu.memory_space<vmem>>[vector<16xi32>, vector<16xi32>], vector<16xf32>,
      %gather3A_853 = tpu.vector_load_idx %arg15[%add3A_332, %broadcast_in_dim3A_849] : memref<512x32xf32, #tpu.memory_space<vmem>>[vector<16xi32>, vector<16xi32>], vector<16xf32>,
      %sub3A_854 = arith.subf %gather3A_850, %gather3A_851 : vector<16xf32>
      %add3A_855 = arith.addf %sub3A_854, %gather3A_853 : vector<16xf32>
      %mul3A_856 = arith.mulf %gather3A_852, %add3A_587 : vector<16xf32>
      %sub3A_857 = arith.subf %add3A_855, %mul3A_856 : vector<16xf32>
      tpu.vector_store_idx %arg16[%add3A_332, %broadcast_in_dim3A_849], %sub3A_857 : memref<512x32xf32, #tpu.memory_space<vmem>>[vector<16xi32>, vector<16xi32>], vector<16xf32>,
      %broadcast_in_dim3A_858 = arith.constant 27 : i32
      %broadcast_in_dim3A_859 = vector.broadcast %broadcast_in_dim3A_858 : i32 to vector<16xi32>
      %gather3A_860 = tpu.vector_load_idx %arg12[%add3A_332, %broadcast_in_dim3A_859] : memref<512x32xf32, #tpu.memory_space<vmem>>[vector<16xi32>, vector<16xi32>], vector<16xf32>,
      %gather3A_861 = tpu.vector_load_idx %arg13[%add3A_332, %broadcast_in_dim3A_859] : memref<512x32xf32, #tpu.memory_space<vmem>>[vector<16xi32>, vector<16xi32>], vector<16xf32>,
      %gather3A_862 = tpu.vector_load_idx %arg14[%add3A_332, %broadcast_in_dim3A_859] : memref<512x32xf32, #tpu.memory_space<vmem>>[vector<16xi32>, vector<16xi32>], vector<16xf32>,
      %gather3A_863 = tpu.vector_load_idx %arg15[%add3A_332, %broadcast_in_dim3A_859] : memref<512x32xf32, #tpu.memory_space<vmem>>[vector<16xi32>, vector<16xi32>], vector<16xf32>,
      %sub3A_864 = arith.subf %gather3A_860, %gather3A_861 : vector<16xf32>
      %add3A_865 = arith.addf %sub3A_864, %gather3A_863 : vector<16xf32>
      %mul3A_866 = arith.mulf %gather3A_862, %add3A_587 : vector<16xf32>
      %sub3A_867 = arith.subf %add3A_865, %mul3A_866 : vector<16xf32>
      tpu.vector_store_idx %arg16[%add3A_332, %broadcast_in_dim3A_859], %sub3A_867 : memref<512x32xf32, #tpu.memory_space<vmem>>[vector<16xi32>, vector<16xi32>], vector<16xf32>,
      %broadcast_in_dim3A_868 = arith.constant 28 : i32
      %broadcast_in_dim3A_869 = vector.broadcast %broadcast_in_dim3A_868 : i32 to vector<16xi32>
      %gather3A_870 = tpu.vector_load_idx %arg12[%add3A_332, %broadcast_in_dim3A_869] : memref<512x32xf32, #tpu.memory_space<vmem>>[vector<16xi32>, vector<16xi32>], vector<16xf32>,
      %gather3A_871 = tpu.vector_load_idx %arg13[%add3A_332, %broadcast_in_dim3A_869] : memref<512x32xf32, #tpu.memory_space<vmem>>[vector<16xi32>, vector<16xi32>], vector<16xf32>,
      %gather3A_872 = tpu.vector_load_idx %arg14[%add3A_332, %broadcast_in_dim3A_869] : memref<512x32xf32, #tpu.memory_space<vmem>>[vector<16xi32>, vector<16xi32>], vector<16xf32>,
      %gather3A_873 = tpu.vector_load_idx %arg15[%add3A_332, %broadcast_in_dim3A_869] : memref<512x32xf32, #tpu.memory_space<vmem>>[vector<16xi32>, vector<16xi32>], vector<16xf32>,
      %sub3A_874 = arith.subf %gather3A_870, %gather3A_871 : vector<16xf32>
      %add3A_875 = arith.addf %sub3A_874, %gather3A_873 : vector<16xf32>
      %mul3A_876 = arith.mulf %gather3A_872, %add3A_587 : vector<16xf32>
      %sub3A_877 = arith.subf %add3A_875, %mul3A_876 : vector<16xf32>
      tpu.vector_store_idx %arg16[%add3A_332, %broadcast_in_dim3A_869], %sub3A_877 : memref<512x32xf32, #tpu.memory_space<vmem>>[vector<16xi32>, vector<16xi32>], vector<16xf32>,
      %broadcast_in_dim3A_878 = arith.constant 29 : i32
      %broadcast_in_dim3A_879 = vector.broadcast %broadcast_in_dim3A_878 : i32 to vector<16xi32>
      %gather3A_880 = tpu.vector_load_idx %arg12[%add3A_332, %broadcast_in_dim3A_879] : memref<512x32xf32, #tpu.memory_space<vmem>>[vector<16xi32>, vector<16xi32>], vector<16xf32>,
      %gather3A_881 = tpu.vector_load_idx %arg13[%add3A_332, %broadcast_in_dim3A_879] : memref<512x32xf32, #tpu.memory_space<vmem>>[vector<16xi32>, vector<16xi32>], vector<16xf32>,
      %gather3A_882 = tpu.vector_load_idx %arg14[%add3A_332, %broadcast_in_dim3A_879] : memref<512x32xf32, #tpu.memory_space<vmem>>[vector<16xi32>, vector<16xi32>], vector<16xf32>,
      %gather3A_883 = tpu.vector_load_idx %arg15[%add3A_332, %broadcast_in_dim3A_879] : memref<512x32xf32, #tpu.memory_space<vmem>>[vector<16xi32>, vector<16xi32>], vector<16xf32>,
      %sub3A_884 = arith.subf %gather3A_880, %gather3A_881 : vector<16xf32>
      %add3A_885 = arith.addf %sub3A_884, %gather3A_883 : vector<16xf32>
      %mul3A_886 = arith.mulf %gather3A_882, %add3A_587 : vector<16xf32>
      %sub3A_887 = arith.subf %add3A_885, %mul3A_886 : vector<16xf32>
      tpu.vector_store_idx %arg16[%add3A_332, %broadcast_in_dim3A_879], %sub3A_887 : memref<512x32xf32, #tpu.memory_space<vmem>>[vector<16xi32>, vector<16xi32>], vector<16xf32>,
      %broadcast_in_dim3A_888 = arith.constant 30 : i32
      %broadcast_in_dim3A_889 = vector.broadcast %broadcast_in_dim3A_888 : i32 to vector<16xi32>
      %gather3A_890 = tpu.vector_load_idx %arg12[%add3A_332, %broadcast_in_dim3A_889] : memref<512x32xf32, #tpu.memory_space<vmem>>[vector<16xi32>, vector<16xi32>], vector<16xf32>,
      %gather3A_891 = tpu.vector_load_idx %arg13[%add3A_332, %broadcast_in_dim3A_889] : memref<512x32xf32, #tpu.memory_space<vmem>>[vector<16xi32>, vector<16xi32>], vector<16xf32>,
      %gather3A_892 = tpu.vector_load_idx %arg14[%add3A_332, %broadcast_in_dim3A_889] : memref<512x32xf32, #tpu.memory_space<vmem>>[vector<16xi32>, vector<16xi32>], vector<16xf32>,
      %gather3A_893 = tpu.vector_load_idx %arg15[%add3A_332, %broadcast_in_dim3A_889] : memref<512x32xf32, #tpu.memory_space<vmem>>[vector<16xi32>, vector<16xi32>], vector<16xf32>,
      %sub3A_894 = arith.subf %gather3A_890, %gather3A_891 : vector<16xf32>
      %add3A_895 = arith.addf %sub3A_894, %gather3A_893 : vector<16xf32>
      %mul3A_896 = arith.mulf %gather3A_892, %add3A_587 : vector<16xf32>
      %sub3A_897 = arith.subf %add3A_895, %mul3A_896 : vector<16xf32>
      tpu.vector_store_idx %arg16[%add3A_332, %broadcast_in_dim3A_889], %sub3A_897 : memref<512x32xf32, #tpu.memory_space<vmem>>[vector<16xi32>, vector<16xi32>], vector<16xf32>,
      %broadcast_in_dim3A_898 = arith.constant 31 : i32
      %broadcast_in_dim3A_899 = vector.broadcast %broadcast_in_dim3A_898 : i32 to vector<16xi32>
      %gather3A_900 = tpu.vector_load_idx %arg12[%add3A_332, %broadcast_in_dim3A_899] : memref<512x32xf32, #tpu.memory_space<vmem>>[vector<16xi32>, vector<16xi32>], vector<16xf32>,
      %gather3A_901 = tpu.vector_load_idx %arg13[%add3A_332, %broadcast_in_dim3A_899] : memref<512x32xf32, #tpu.memory_space<vmem>>[vector<16xi32>, vector<16xi32>], vector<16xf32>,
      %gather3A_902 = tpu.vector_load_idx %arg14[%add3A_332, %broadcast_in_dim3A_899] : memref<512x32xf32, #tpu.memory_space<vmem>>[vector<16xi32>, vector<16xi32>], vector<16xf32>,
      %gather3A_903 = tpu.vector_load_idx %arg15[%add3A_332, %broadcast_in_dim3A_899] : memref<512x32xf32, #tpu.memory_space<vmem>>[vector<16xi32>, vector<16xi32>], vector<16xf32>,
      %sub3A_904 = arith.subf %gather3A_900, %gather3A_901 : vector<16xf32>
      %add3A_905 = arith.addf %sub3A_904, %gather3A_903 : vector<16xf32>
      %mul3A_906 = arith.mulf %gather3A_902, %add3A_587 : vector<16xf32>
      %sub3A_907 = arith.subf %add3A_905, %mul3A_906 : vector<16xf32>
      tpu.vector_store_idx %arg16[%add3A_332, %broadcast_in_dim3A_899], %sub3A_907 : memref<512x32xf32, #tpu.memory_space<vmem>>[vector<16xi32>, vector<16xi32>], vector<16xf32>,
    }
    %scan3A_327 = arith.constant 32 : i32
    "tpu.region"() ({
      %run_scoped3A = tpu.sem_alloc : memref<!tpu.dma_semaphore, #tpu.memory_space<semaphore_mem>>
      %dma_start3A_328 = arith.constant 0 : i32
      %dma_start3A_329 = tpu.memref_slice %arg8[%mul3A_2, %dma_start3A_328] : memref<16384x32xf32, #tpu.memory_space<hbm>> -> memref<512x32xf32, #tpu.memory_space<hbm>>
      %dma_start3A_330 = arith.constant 0 : i32
      %dma_start3A_331 = tpu.memref_slice %arg8[%mul3A_2, %dma_start3A_330] : memref<16384x32xf32, #tpu.memory_space<hbm>> -> memref<512x32xf32, #tpu.memory_space<hbm>>
      tpu.enqueue_dma source(%arg16 : memref<512x32xf32, #tpu.memory_space<vmem>>) target(%dma_start3A_331 : memref<512x32xf32, #tpu.memory_space<hbm>>) target_semaphore(%run_scoped3A : memref<!tpu.dma_semaphore, #tpu.memory_space<semaphore_mem>>)
      %dma_wait3A_332 = arith.constant 0 : i32
      %dma_wait3A_333 = tpu.memref_slice %arg8[%mul3A_2, %dma_wait3A_332] : memref<16384x32xf32, #tpu.memory_space<hbm>> -> memref<512x32xf32, #tpu.memory_space<hbm>>
      %dma_wait3A_334 = arith.constant 0 : i32
      %dma_wait3A_335 = tpu.memref_slice %arg8[%mul3A_2, %dma_wait3A_334] : memref<16384x32xf32, #tpu.memory_space<hbm>> -> memref<512x32xf32, #tpu.memory_space<hbm>>
      tpu.wait_dma2 semaphore(%run_scoped3A : memref<!tpu.dma_semaphore, #tpu.memory_space<semaphore_mem>>) src(%arg16 : memref<512x32xf32, #tpu.memory_space<vmem>>) dst(%dma_wait3A_335 : memref<512x32xf32, #tpu.memory_space<hbm>>)
      tpu.yield
    }) : () -> ()
    return
  }
}

</mosaic_0001>

<sc_bundles>
// kernel: kernel.3.cloned.1.call-start
scs
__scs_entry_jumppad:
0x0: {  	(pc) =	sbr.rel $0x88, $3  }
0x1: {  	(tag) =	ssettag $0x0;
	lr =	simm.s32 $0x1  }
0x2: {  	[smem:$0x3F9D] =	sst lr;
	_ =	strace $0xD0000000  }
0x3: {  	_ = 	snop  }
0x4: {  	_ = 	snop  }
0x5: {  	_ = 	snop  }
0x6: {  	_ = 	snop  }
0x7: {  	_ = 	snop  }
__scs_overlays_trampoline_lowered:
0x8: {  	[smem:$0x3FAC] =	sst s0  }
0x9: {  	[smem:$0x3FAD] =	sst s1  }
0xa: {  	[smem:$0x3FAE] =	sst s2  }
0xb: {  	[smem:$0x3FAF] =	sst s3  }
0xc: {  	[smem:$0x3FB0] =	sst s4  }
0xd: {  	[smem:$0x3FB1] =	sst s5  }
0xe: {  	[smem:$0x3FB2] =	sst s6  }
0xf: {  	[smem:$0x3FB3] =	sst s7  }
0x10: {  	[smem:$0x3FB4] =	sst s8  }
0x11: {  	[smem:$0x3FB5] =	sst s9;
	s0 =	simm.s32 @!p0 $0x0  }
0x12: {  	s1 =	sld [smem:$0x3F9B];
	s0 =	simm.s32 @p0 $0x1  }
0x13: {  	[smem:$0x3FB6] =	sst s0;
	s0 =	simm.s32 @!p1 $0x0  }
0x14: {  	s2 =	sld [smem:$0x3F9A];
	s0 =	simm.s32 @p1 $0x1  }
0x15: {  	[smem:$0x3FB7] =	sst s0;
	s0 =	simm.s32 @!p2 $0x0  }
0x16: {  	s3 =	sld [smem:$0x3FDB];
	s0 =	simm.s32 @p2 $0x1  }
0x17: {  	s4 =	simm.s32 $0x1BF5;
	[smem:$0x3FB9] =	sst s0  }
0x18: {  	s0 =	sld [smem:$0x3F9C];
	_ =	swait.ge [sflag:s4], $0x0  }
0x19: {  	s7 =	sld [smem:$0x3F9D]  }
0x1a: {  	s8 =	sadd.s32 $0xFFFFE003, lr  }
0x1b: {  	s9 =	sadd.s32 $0xFFFFFEF7, lr;
	s5 =	simm.s32 $0xFFFFFFFF;
	p2 =	slt.u32 s8, $0xFFFFF086  }
0x1c: {  	p1 =	slt.u32 s9, $0xF7A;
	s5 =	simm.s32 @!p2 $0x0  }
0x1d: {  	s5 =	simm.s32 @p1 $0x1;
	p0 =	seq.s32 s7, s2  }
0x1e: {  	s7 =	smul.u32 @!p0 $0xF7A, s2;
	p2 =	seq.s32 @!p0 s5, $0x0  }
0x1f: {  	s9 =	smul.u32 $0xF7A, s1;
	s8 =	simm.s32 @!p0 $0x1BF5;
	p2 =	por !p2, p0  }
0x20: {  	[sflag:s8] =	ssyncset.s32 @!p0 $0xFFFFF086;
	s6 =	sadd.s32 @!p0 s3, s7;
	s7 =	simm.s32 @!p0 $0x108  }
0x21: {  	s3 =	sadd.s32 s3, s9;
	s6 =	sadd.s32 @!p0 $0x88, s6;
	s7 =	simm.s32 @p2 $0x1082  }
0x22: {  	[simem:s7], [sflag:s8] =	dma.local @!p0 [hbm:s6], $0xF7A  }
0x23: {  	s9 =	sor.u32 $0xD0000000, s2;
	s6 =	simm.s32 $0x108;
	_ =	swait.ge @!p0 [sflag:s8], $0x0  }
0x24: {  	s3 =	sadd.s32 $0x88, s3;
	s6 =	simm.s32 @!p1 $0x1082;
	[sflag:s4] =	ssyncset.s32 $0xFFFFF086  }
0x25: {  	[simem:s6], [sflag:s4] =	dma.local [hbm:s3], $0xF7A  }
0x26: {  	[smem:$0x3F9D] =	sst s1;
	(tag) =	ssettag s2;
	_ =	strace s9  }
0x27: {  	s1 =	sld [smem:$0x3FAD]  }
0x28: {  	s2 =	sld [smem:$0x3FAE]  }
0x29: {  	s4 =	sld [smem:$0x3FB0]  }
0x2a: {  	p0 =	seq.s32 s5, $0x0;
	s5 =	sld [smem:$0x3FB1]  }
0x2b: {  	s6 =	sld [smem:$0x3FB2]  }
0x2c: {  	s7 =	sld [smem:$0x3FB3]  }
0x2d: {  	s3 =	simm.s32 $0x108;
	s8 =	sld [smem:$0x3FB4]  }
0x2e: {  	s3 =	simm.s32 @!p0 $0x1082;
	s9 =	sld [smem:$0x3FB5]  }
0x2f: {  	lr =	sadd.s32 s0, s3;
	s0 =	sld [smem:$0x3FAC]  }
0x30: {  	s3 =	sld [smem:$0x3FAF]  }
0x31: {  	[smem:$0x3FB8] =	sst s10  }
0x32: {  	s10 =	sld [smem:$0x3FB6];
	_ =	sdelay $0x3  }
0x33: {  	p0 =	seq.s32 s10, $0x1;
	s10 =	sld [smem:$0x3FB8];
	_ =	sdelay $0x3  }
0x34: {  	[smem:$0x3FB8] =	sst s10  }
0x35: {  	s10 =	sld [smem:$0x3FB7];
	_ =	sdelay $0x3  }
0x36: {  	p1 =	seq.s32 s10, $0x1;
	s10 =	sld [smem:$0x3FB8];
	_ =	sdelay $0x3  }
0x37: {  	[smem:$0x3FB8] =	sst s10  }
0x38: {  	s10 =	sld [smem:$0x3FB9]  }
0x39: {  	_ = 	snop;
	(pc) =	sbr.ind lr, $3  }
0x3a: {  	_ = 	snop  }
0x3b: {  	_ = 	snop  }
0x3c: {  	p2 =	seq.s32 s10, $0x1;
	s10 =	sld [smem:$0x3FB8]  }
0x3d: {  	_ =	shalt  }
0x3e: {  	_ =	shalt  }
0x3f: {  	_ =	shalt  }
0x40: {  	_ =	shalt  }
0x41: {  	_ =	shalt  }
0x42: {  	_ =	shalt  }
0x43: {  	_ =	shalt  }
0x44: {  	_ =	shalt  }
0x45: {  	_ =	shalt  }
0x46: {  	_ =	shalt  }
0x47: {  	_ =	shalt  }
0x48: {  	_ =	shalt  }
0x49: {  	_ =	shalt  }
0x4a: {  	_ =	shalt  }
0x4b: {  	_ =	shalt  }
0x4c: {  	_ =	shalt  }
0x4d: {  	_ =	shalt  }
0x4e: {  	_ =	shalt  }
0x4f: {  	_ =	shalt  }
0x50: {  	_ =	shalt  }
0x51: {  	_ =	shalt  }
0x52: {  	_ =	shalt  }
0x53: {  	_ =	shalt  }
0x54: {  	_ =	shalt  }
0x55: {  	_ =	shalt  }
0x56: {  	_ =	shalt  }
0x57: {  	_ =	shalt  }
0x58: {  	_ =	shalt  }
0x59: {  	_ =	shalt  }
0x5a: {  	_ =	shalt  }
0x5b: {  	_ =	shalt  }
0x5c: {  	_ =	shalt  }
0x5d: {  	_ =	shalt  }
0x5e: {  	_ =	shalt  }
0x5f: {  	_ =	shalt  }
0x60: {  	_ =	shalt  }
0x61: {  	_ =	shalt  }
0x62: {  	_ =	shalt  }
0x63: {  	_ =	shalt  }
0x64: {  	_ =	shalt  }
0x65: {  	_ =	shalt  }
0x66: {  	_ =	shalt  }
0x67: {  	_ =	shalt  }
0x68: {  	_ =	shalt  }
0x69: {  	_ =	shalt  }
0x6a: {  	_ =	shalt  }
0x6b: {  	_ =	shalt  }
0x6c: {  	_ =	shalt  }
0x6d: {  	_ =	shalt  }
0x6e: {  	_ =	shalt  }
0x6f: {  	_ =	shalt  }
0x70: {  	_ =	shalt  }
0x71: {  	_ =	shalt  }
0x72: {  	_ =	shalt  }
0x73: {  	_ =	shalt  }
0x74: {  	_ =	shalt  }
0x75: {  	_ =	shalt  }
0x76: {  	_ =	shalt  }
0x77: {  	_ =	shalt  }
0x78: {  	_ =	shalt  }
0x79: {  	_ =	shalt  }
0x7a: {  	_ =	shalt  }
0x7b: {  	_ =	shalt  }
0x7c: {  	_ =	shalt  }
0x7d: {  	_ =	shalt  }
0x7e: {  	_ =	shalt  }
0x7f: {  	_ =	shalt  }
0x80: {  	_ =	shalt  }
0x81: {  	_ =	shalt  }
0x82: {  	_ =	shalt  }
0x83: {  	_ =	shalt  }
0x84: {  	_ =	shalt  }
0x85: {  	_ =	shalt  }
0x86: {  	_ =	shalt  }
0x87: {  	_ =	shalt  }
.Lfunc_end0:
.L_simem_size_0:
called_computation_lowered:
.L_overlay_start_0:
0x88: {  	s2 =	sld [smem:$0x3FD9]  }
0x89: {  	s3 =	sld [smem:$0x3FFE];
	_ =	sdelay $0x1  }
0x8a: {  	s1 =	srdreg.scid  }
0x8b: {  	s0 =	sand.u32 $0x1, s1  }
0x8c: {  	s17 =	sshll.u32 s0, $0xA;
	s2 =	sadd.s32 s3, s2  }
0x8d: {  	s2 =	sadd.s32 s2, s17  }
0x8e: {  	[smem:$0x3FC4] =	sst s2  }
0x8f: {  	_ = 	snop  }
0x90: {  	s2 =	sld [smem:$0x3FD0];
	(tm) =	ssettm $0x1  }
0x91: {  	s18 =	sld [smem:$0x3FFB];
	_ =	sdelay $0x3  }
0x92: {  	_ =	strace s18  }
0x93: {  	s3 =	sld [smem:$0x3FFC];
	_ =	sdelay $0x3  }
0x94: {  	_ =	strace s3  }
0x95: {  	s3 =	sld [smem:$0x3FFD];
	_ =	sdelay $0x3  }
0x96: {  	_ =	strace s3  }
0x97: {  	_ =	strace $0x8FFFFFFF  }
0x98: {  	s19 =	sld [smem:$0x3FDB];
	_ =	sdelay $0x1  }
0x99: {  	s4 =	simm.s32 $_scs_section_size  }
0x9a: {  	s5 =	simm.s32 $_size__tile_overlayer_lowered;
	s6 =	simm.s32 $_tile_overlayer_lowered  }
0x9b: {  	s22 =	simm.s32 $0x1BFF;
	s21 =	sshll.u32 s6, $0x1;
	s3 =	sadd.s32 s4, s19  }
0x9c: {  	s7 =	simm.s32 $0x0;
	s20 =	sshll.u32 s5, $0x1;
	s5 =	sadd.s32 s21, s3  }
0x9d: {  	[timem:s7], [sflag:s22] =	dma.local [hbm:s5], s20  }
0x9e: {  	_ =	swait.ge [sflag:s22], s20  }
0x9f: {  	s4 =	ssub.s32 $0x0, s20;
	[sflag:s22] =	ssyncset.done $0x0  }
0xa0: {  	[sflag:s22] =	ssyncadd.s32 s4;
	_ =	sdelay $0x1  }
0xa1: {  	s23 =	simm.s32 $0x1B8B  }
0xa2: {  	_ =	swait.ge [sflag:s23], $0x1  }
0xa3: {  	[sflag:s23] =	ssyncset.done $0x0  }
0xa4: {  	s25 =	simm.s32 $0x1B8E;
	s24 =	sld [smem:$0x3FFE];
	[sflag:s23] =	ssyncadd.s32 $0xFFFFFFFF  }
0xa5: {  	s26 =	simm.s32 $execute0_lowered;
	[smem:$0x3FD2] =	sst s25  }
0xa6: {  	s5 =	sshll.u32 s26, $0x1;
	_ =	strace $0x80000046;
	[dreg:$0x1] =	wrdreg $0xFFFFFFFF  }
0xa7: {  	s28 =	simm.s32 $_size_execute0_lowered;
	s3 =	sadd.s32 s3, s5;
	[dreg:$0x0] =	wrdreg $0x0  }
0xa8: {  	s5 =	sshll.u32 s28, $0x1;
	[dreg:$0x2] =	wrdreg s3  }
0xa9: {  	[dreg:$0x3] =	wrdreg s5  }
0xaa: {  	[dreg:$0x4] =	wrdreg $0xC0  }
0xab: {  	_ =	task [dreg:s7], $0x5FFFF  }
0xac: {  	[dreg:$0x1] =	wrdreg $0xFFFFFFFF  }
0xad: {  	[dreg:$0x0] =	wrdreg $0x60  }
0xae: {  	[dreg:$0x2] =	wrdreg s24  }
0xaf: {  	[dreg:$0x3] =	wrdreg s2  }
0xb0: {  	[dreg:$0x4] =	wrdreg $0x9  }
0xb1: {  	_ =	task.clear_ibuf [dreg:s7], $0x5FFFF;
	_ =	strace $0x90000046  }
0xb2: {  	s29 =	simm.s32 $0x9;
	_ =	strace $0x80000048  }
0xb3: {  	_ =	swait.ge [sflag:s29], $0x1  }
0xb4: {  	[sflag:s29] =	ssyncadd.s32 $0xFFFFFFFF  }
0xb5: {  	_ =	strace $0x90000048  }
0xb6: {  	_ =	sfence  }
0xb7: {  	s30 =	sld [smem:$0x0];
	_ =	sdelay $0x2  }
0xb8: {  	s31 =	sshll.u32 s1, $0xD;
	s1 =	sshrl.u32 s1, $0x2  }
0xb9: {  	s3 =	sand.u32 $0x4000, s31;
	s1 =	sadd.s32 s1, s30  }
0xba: {  	s0 =	sor.u32 s3, s0;
	s1 =	sshll.u32 s1, $0x11  }
0xbb: {  	s0 =	sor.u32 s1, s0  }
0xbc: {  	s0 =	sadd.s32 $0x8F2B, s0  }
0xbd: {  	[sflag:s0] =	ssyncadd.remote.s32 $0x1  }
0xbe: {  	_ =	sfence.sel $0xFFFF  }
0xbf: {  	[dreg:$0x0] =	wrdreg $0xFFFFFFFF;
	(pc) =	sbr.abs _section_cstart, $3  }
0xc0: {  	[dreg:$0x1] =	wrdreg $0xFFFFFFFF  }
0xc1: {  	_ =	task.clear_ibuf [dreg:s7], $0x2FFFF;
	_ =	strace $0x9FFFFFFF  }
0xc2: {  	(tm) =	ssettm $0x7FFFFFFF  }
0xc3: {  	_ =	shalt  }
tec
execute0_lowered:
.L_overlay_start_1:
0x0: {  	(tag) =	ssettag $0x1  }
0x1: {  	s0 =	rddreg [dreg:$0x0];
	s1 =	srdreg.scid  }
0x2: {  	s2 =	stileid.u32;
	s9 =	rddreg [dreg:$0x1];
	s11 =	simm.s32 $0x2  }
0x3: {  	s12 =	simm.s32 $0x200;
	s13 =	simm.s32 $0x400;
	s14 =	simm.s32 $0x80  }
0x4: {  	s15 =	simm.s32 $0x600;
	s16 =	simm.s32 $0x4600;
	s17 =	simm.s32 $0x8600  }
0x5: {  	s18 =	simm.s32 $0xC600;
	s22 =	simm.s32 $0x280;
	s30 =	simm.s32 $0x300  }
0x6: {  	s19 =	simm.s32 $0x3600;
	s20 =	simm.s32 $0x580;
	s21 =	simm.s32 $0x7600  }
0x7: {  	s23 =	simm.s32 $0x380;
	s24 =	simm.s32 $0xB600;
	s25 =	simm.s32 $0xF600  }
0x8: {  	s28 =	simm.s32 $0x10600;
	s29 =	simm.s32 $0x0;
	s1 =	sand.u32 $0x1, s1  }
0x9: {  	s3 =	sshll.u32 s2, $0x1;
	s2 =	simm.s32 $0x0;
	s4 =	sadd.s32 $0x1314C00, s0  }
0xa: {  	s5 =	sadd.s32 $0x16E5600, s0;
	s10 =	sor.u32 s1, s3;
	[smem:$0x7FF] =	sst s2  }
0xb: {  	s1 =	ssub.s32 $0x2, s1;
	s3 =	sshll.u32 s10, $0x6;
	_ =	strace $0x80000047  }
0xc: {  	s6 =	sshrl.u32 s1, $0x1;
	s31 =	sshll.u32 s10, $0xB;
	s8 =	sadd.s32 s3, s0  }
0xd: {  	s3 =	sadd.s32 $0xF44200, s0;
	s26 =	ssub.s32 s1, s6;
	s9 =	sadd.s32 s9, s31  }
0xe: {  	v0 =	vlaneseq.u32;
	s0 =	simm.s32 $0x180;
	s6 =	sadd.s32 $0x1600, s8;
	s7 =	sadd.s32 $0xE00, s8  }
0xf: {  	v0 =	vmul.u32 $0x20, v0;
	s8 =	sadd.s32 $0x600, s8;
	s10 =	smax.u32 s26, $0x1;
	s26 =	simm.s32 $0x1  }
.LBB2_1:
0x10: {  	[tilespmem:s2], [sflag:$0x2] =	stream.linear.gather [hbm4b:s6+s2], $0x200, $0x38;
	[tilespmem:$0x14600] =	vst v63  }
0x11: {  	_ =	swait.ge [sflag:s11], $0x200  }
0x12: {  	[sflag:s11] =	ssyncset.done $0x0  }
0x13: {  	[sflag:s11] =	ssyncadd.s32 $0xFFFFFE00  }
0x14: {  	[tilespmem:s12], [sflag:$0x2] =	stream.linear.gather [hbm4b:s7+s2], $0x200, $0x38;
	[tilespmem:$0x14600] =	vst v63  }
0x15: {  	_ =	swait.ge [sflag:s11], $0x200  }
0x16: {  	[sflag:s11] =	ssyncset.done $0x0  }
0x17: {  	[sflag:s11] =	ssyncadd.s32 $0xFFFFFE00  }
0x18: {  	[tilespmem:s13], [sflag:$0x2] =	stream.linear.gather [hbm4b:s8+s2], $0x200, $0x38;
	[tilespmem:$0x14600] =	vst v63  }
0x19: {  	_ =	swait.ge [sflag:s11], $0x200  }
0x1a: {  	[sflag:s11] =	ssyncset.done $0x0  }
0x1b: {  	[sflag:s11] =	ssyncadd.s32 $0xFFFFFE00  }
0x1c: {  	[tilespmem:s15], [sflag:$0x1] =	stream.indirect.gather [hbm4b:s3+s14], $0x20, s2, s14, $0xb8;
	[tilespmem:$0x14600] =	vst v63  }
0x1d: {  	_ = 	snop  }
0x1e: {  	[tilespmem:s16], [sflag:$0x1] =	stream.indirect.gather [hbm4b:s3+s14], $0x20, s13, s14, $0xb8;
	[tilespmem:$0x14600] =	vst v63  }
0x1f: {  	_ = 	snop  }
0x20: {  	[tilespmem:s17], [sflag:$0x1] =	stream.indirect.gather [hbm4b:s5+s14], $0x20, s12, s14, $0xb8;
	[tilespmem:$0x14600] =	vst v63  }
0x21: {  	_ = 	snop  }
0x22: {  	[tilespmem:s18], [sflag:$0x1] =	stream.indirect.gather [hbm4b:s4+s14], $0x20, s12, s14, $0xb8;
	[tilespmem:$0x14600] =	vst v63  }
0x23: {  	s31 =	simm.s32 $0x1600  }
0x24: {  	[tilespmem:s31], [sflag:$0x1] =	stream.indirect.gather [hbm4b:s3+s14], $0x20, s14, s14, $0xb8;
	[tilespmem:$0x14600] =	vst v63  }
0x25: {  	s1 =	simm.s32 $0x5600;
	s31 =	simm.s32 $0x480  }
0x26: {  	[tilespmem:s1], [sflag:$0x1] =	stream.indirect.gather [hbm4b:s3+s14], $0x20, s31, s14, $0xb8;
	[tilespmem:$0x14600] =	vst v63  }
0x27: {  	s1 =	simm.s32 $0x9600  }
0x28: {  	[tilespmem:s1], [sflag:$0x1] =	stream.indirect.gather [hbm4b:s5+s14], $0x20, s22, s14, $0xb8;
	[tilespmem:$0x14600] =	vst v63  }
0x29: {  	s1 =	simm.s32 $0xD600  }
0x2a: {  	[tilespmem:s1], [sflag:$0x1] =	stream.indirect.gather [hbm4b:s4+s14], $0x20, s22, s14, $0xb8;
	[tilespmem:$0x14600] =	vst v63  }
0x2b: {  	s31 =	simm.s32 $0x2600;
	s1 =	simm.s32 $0x100  }
0x2c: {  	[tilespmem:s31], [sflag:$0x1] =	stream.indirect.gather [hbm4b:s3+s14], $0x20, s1, s14, $0xb8;
	[tilespmem:$0x14600] =	vst v63  }
0x2d: {  	s1 =	simm.s32 $0x500;
	s31 =	simm.s32 $0x6600  }
0x2e: {  	[tilespmem:s31], [sflag:$0x1] =	stream.indirect.gather [hbm4b:s3+s14], $0x20, s1, s14, $0xb8;
	[tilespmem:$0x14600] =	vst v63  }
0x2f: {  	s1 =	simm.s32 $0xA600  }
0x30: {  	[tilespmem:s1], [sflag:$0x1] =	stream.indirect.gather [hbm4b:s5+s14], $0x20, s30, s14, $0xb8;
	[tilespmem:$0x14600] =	vst v63  }
0x31: {  	s1 =	simm.s32 $0xE600  }
0x32: {  	[tilespmem:s1], [sflag:$0x1] =	stream.indirect.gather [hbm4b:s4+s14], $0x20, s30, s14, $0xb8;
	[tilespmem:$0x14600] =	vst v63  }
0x33: {  	_ = 	snop  }
0x34: {  	[tilespmem:s19], [sflag:$0x1] =	stream.indirect.gather [hbm4b:s3+s14], $0x20, s0, s14, $0xb8;
	[tilespmem:$0x14600] =	vst v63  }
0x35: {  	_ = 	snop  }
0x36: {  	[tilespmem:s21], [sflag:$0x1] =	stream.indirect.gather [hbm4b:s3+s14], $0x20, s20, s14, $0xb8;
	[tilespmem:$0x14600] =	vst v63  }
0x37: {  	_ = 	snop  }
0x38: {  	[tilespmem:s24], [sflag:$0x1] =	stream.indirect.gather [hbm4b:s5+s14], $0x20, s23, s14, $0xb8;
	[tilespmem:$0x14600] =	vst v63  }
0x39: {  	_ = 	snop  }
0x3a: {  	[tilespmem:s25], [sflag:$0x1] =	stream.indirect.gather [hbm4b:s4+s14], $0x20, s23, s14, $0xb8;
	[tilespmem:$0x14600] =	vst v63  }
0x3b: {  	_ =	swait.ge [sflag:s26], $0x1000  }
0x3c: {  	[sflag:s26] =	ssyncset.done $0x0  }
0x3d: {  	[sflag:s26] =	ssyncadd.s32 $0xFFFFF000  }
0x3e: {  	_ =	swait.ge [sflag:s26], $0x1000  }
0x3f: {  	[sflag:s26] =	ssyncset.done $0x0  }
0x40: {  	[sflag:s26] =	ssyncadd.s32 $0xFFFFF000  }
0x41: {  	_ =	swait.ge [sflag:s26], $0x1000  }
0x42: {  	[sflag:s26] =	ssyncset.done $0x0  }
0x43: {  	[sflag:s26] =	ssyncadd.s32 $0xFFFFF000  }
0x44: {  	_ =	swait.ge [sflag:s26], $0x1000  }
0x45: {  	[sflag:s26] =	ssyncset.done $0x0  }
0x46: {  	[sflag:s26] =	ssyncadd.s32 $0xFFFFF000  }
0x47: {  	_ =	swait.ge [sflag:s26], $0x1000  }
0x48: {  	[sflag:s26] =	ssyncset.done $0x0  }
0x49: {  	[sflag:s26] =	ssyncadd.s32 $0xFFFFF000  }
0x4a: {  	_ =	swait.ge [sflag:s26], $0x1000  }
0x4b: {  	[sflag:s26] =	ssyncset.done $0x0  }
0x4c: {  	[sflag:s26] =	ssyncadd.s32 $0xFFFFF000  }
0x4d: {  	_ =	swait.ge [sflag:s26], $0x1000  }
0x4e: {  	[sflag:s26] =	ssyncset.done $0x0  }
0x4f: {  	[sflag:s26] =	ssyncadd.s32 $0xFFFFF000  }
0x50: {  	_ =	swait.ge [sflag:s26], $0x1000  }
0x51: {  	[sflag:s26] =	ssyncset.done $0x0  }
0x52: {  	[sflag:s26] =	ssyncadd.s32 $0xFFFFF000  }
0x53: {  	_ =	swait.ge [sflag:s26], $0x1000  }
0x54: {  	[sflag:s26] =	ssyncset.done $0x0  }
0x55: {  	[sflag:s26] =	ssyncadd.s32 $0xFFFFF000  }
0x56: {  	_ =	swait.ge [sflag:s26], $0x1000  }
0x57: {  	[sflag:s26] =	ssyncset.done $0x0  }
0x58: {  	[sflag:s26] =	ssyncadd.s32 $0xFFFFF000  }
0x59: {  	_ =	swait.ge [sflag:s26], $0x1000  }
0x5a: {  	[sflag:s26] =	ssyncset.done $0x0  }
0x5b: {  	[sflag:s26] =	ssyncadd.s32 $0xFFFFF000  }
0x5c: {  	_ =	swait.ge [sflag:s26], $0x1000  }
0x5d: {  	[sflag:s26] =	ssyncset.done $0x0  }
0x5e: {  	[sflag:s26] =	ssyncadd.s32 $0xFFFFF000  }
0x5f: {  	_ =	swait.ge [sflag:s26], $0x1000  }
0x60: {  	[sflag:s26] =	ssyncset.done $0x0  }
0x61: {  	[sflag:s26] =	ssyncadd.s32 $0xFFFFF000  }
0x62: {  	_ =	swait.ge [sflag:s26], $0x1000  }
0x63: {  	[sflag:s26] =	ssyncset.done $0x0  }
0x64: {  	[sflag:s26] =	ssyncadd.s32 $0xFFFFF000  }
0x65: {  	_ =	swait.ge [sflag:s26], $0x1000  }
0x66: {  	[sflag:s26] =	ssyncset.done $0x0  }
0x67: {  	[sflag:s26] =	ssyncadd.s32 $0xFFFFF000  }
0x68: {  	_ =	swait.ge [sflag:s26], $0x1000  }
0x69: {  	[sflag:s26] =	ssyncset.done $0x0  }
0x6a: {  	s31 =	simm.s32 $0x0;
	[sflag:s26] =	ssyncadd.s32 $0xFFFFF000  }
.LBB2_2:
0x6b: {  	v1 =	vmov s31  }
0x6c: {  	v1 =	vshll.u32 v1, $0x5  }
0x6d: {  	v33 =	vor.u32 v0, v1;
	_ =	sdelay $0x2  }
0x6e: {  	v32 =	vor.u32 $0x1, v33;
	_ =	sdelay $0x1  }
0x6f: {  	v1 =	vld.idx.msk [tilespmem:v33+s15+$0x0], $0xffff  }
0x70: {  	v31 =	vor.u32 $0x2, v33;
	v2 =	vld.idx.msk [tilespmem:v33+s16+$0x0], $0xffff  }
0x71: {  	v34 =	vld.idx.msk [tilespmem:v33+s17+$0x0], $0xffff  }
0x72: {  	v3 =	vld.idx.msk [tilespmem:v32+s15+$0x0], $0xffff  }
0x73: {  	v30 =	vor.u32 $0x3, v33;
	v4 =	vld.idx.msk [tilespmem:v32+s16+$0x0], $0xffff  }
0x74: {  	v5 =	vld.idx.msk [tilespmem:v32+s17+$0x0], $0xffff  }
0x75: {  	v6 =	vld.idx.msk [tilespmem:v31+s15+$0x0], $0xffff  }
0x76: {  	v29 =	vor.u32 $0x4, v33;
	v7 =	vld.idx.msk [tilespmem:v31+s16+$0x0], $0xffff  }
0x77: {  	v8 =	vld.idx.msk [tilespmem:v31+s17+$0x0], $0xffff  }
0x78: {  	v9 =	vld.idx.msk [tilespmem:v30+s15+$0x0], $0xffff  }
0x79: {  	v28 =	vor.u32 $0x5, v33;
	v10 =	vld.idx.msk [tilespmem:v30+s16+$0x0], $0xffff  }
0x7a: {  	v11 =	vld.idx.msk [tilespmem:v30+s17+$0x0], $0xffff  }
0x7b: {  	v12 =	vld.idx.msk [tilespmem:v29+s15+$0x0], $0xffff  }
0x7c: {  	v27 =	vor.u32 $0x6, v33;
	v13 =	vld.idx.msk [tilespmem:v29+s16+$0x0], $0xffff  }
0x7d: {  	v14 =	vld.idx.msk [tilespmem:v29+s17+$0x0], $0xffff  }
0x7e: {  	v15 =	vld.idx.msk [tilespmem:v28+s15+$0x0], $0xffff  }
0x7f: {  	v26 =	vor.u32 $0x7, v33;
	v16 =	vld.idx.msk [tilespmem:v28+s16+$0x0], $0xffff  }
0x80: {  	v23 =	vld.idx.msk [tilespmem:v28+s17+$0x0], $0xffff  }
0x81: {  	v36 =	vld.idx.msk [tilespmem:v27+s15+$0x0], $0xffff  }
0x82: {  	v25 =	vor.u32 $0x8, v33;
	v37 =	vld.idx.msk [tilespmem:v27+s16+$0x0], $0xffff  }
0x83: {  	v38 =	vld.idx.msk [tilespmem:v27+s17+$0x0], $0xffff  }
0x84: {  	v39 =	vld.idx.msk [tilespmem:v26+s15+$0x0], $0xffff  }
0x85: {  	v24 =	vor.u32 $0x9, v33;
	v40 =	vld.idx.msk [tilespmem:v26+s16+$0x0], $0xffff  }
0x86: {  	v41 =	vld.idx.msk [tilespmem:v26+s17+$0x0], $0xffff  }
0x87: {  	v42 =	vld.idx.msk [tilespmem:v25+s15+$0x0], $0xffff  }
0x88: {  	v22 =	vor.u32 $0xA, v33;
	v43 =	vld.idx.msk [tilespmem:v25+s16+$0x0], $0xffff  }
0x89: {  	v21 =	vor.u32 $0xB, v33;
	v44 =	vld.idx.msk [tilespmem:v25+s17+$0x0], $0xffff  }
0x8a: {  	v18 =	vor.u32 $0xD, v33;
	v45 =	vld.idx.msk [tilespmem:v24+s15+$0x0], $0xffff  }
0x8b: {  	v46 =	vld.idx.msk [tilespmem:v24+s16+$0x0], $0xffff  }
0x8c: {  	v19 =	vor.u32 $0xE, v33;
	v47 =	vld.idx.msk [tilespmem:v24+s17+$0x0], $0xffff  }
0x8d: {  	v48 =	vld.idx.msk [tilespmem:v22+s15+$0x0], $0xffff  }
0x8e: {  	v49 =	vld.idx.msk [tilespmem:v21+s16+$0x0], $0xffff  }
0x8f: {  	v50 =	vld.idx.msk [tilespmem:v18+s16+$0x0], $0xffff  }
0x90: {  	v51 =	vld.idx.msk [tilespmem:v18+s17+$0x0], $0xffff  }
0x91: {  	v52 =	vld.idx.msk [tilespmem:v19+s15+$0x0], $0xffff  }
0x92: {  	v20 =	vor.u32 $0xC, v33;
	v53 =	vld.idx.msk [tilespmem:v19+s16+$0x0], $0xffff  }
0x93: {  	v35 =	vsub.f32 v1, v2;
	v1 =	vld.idx.msk [tilespmem:v22+s16+$0x0], $0xffff  }
0x94: {  	v2 =	vld.idx.msk [tilespmem:v22+s17+$0x0], $0xffff  }
0x95: {  	v3 =	vsub.f32 v3, v4;
	v4 =	vld.idx.msk [tilespmem:v21+s15+$0x0], $0xffff;
	v17 =	vmul.f32 v34, v35  }
0x96: {  	v54 =	vsub.f32 v6, v7;
	v6 =	vld.idx.msk [tilespmem:v21+s17+$0x0], $0xffff;
	v57 =	vsub.f32 v15, v16;
	v15 =	vor.u32 $0x10, v33  }
0x97: {  	v7 =	vld.idx.msk [tilespmem:v20+s15+$0x0], $0xffff;
	v3 =	vmul.f32 v5, v3;
	v17 =	vadd.f32 $0.0e+00, v17  }
0x98: {  	v9 =	vsub.f32 v9, v10;
	v10 =	vld.idx.msk [tilespmem:v20+s17+$0x0], $0xffff  }
0x99: {  	v16 =	vor.u32 $0x11, v33;
	v5 =	vmul.f32 v8, v54;
	v8 =	vld.idx.msk [tilespmem:v20+s16+$0x0], $0xffff;
	v3 =	vadd.f32 v3, v17  }
0x9a: {  	v55 =	vsub.f32 v12, v13;
	v58 =	vmul.f32 v23, v57;
	v23 =	vld.idx.msk [tilespmem:v19+s17+$0x0], $0xffff  }
0x9b: {  	v61 =	vsub.f32 v39, v40;
	v9 =	vmul.f32 v11, v9;
	v39 =	vld.idx.msk [tilespmem:v15+s15+$0x0], $0xffff;
	v3 =	vadd.f32 v5, v3  }
0x9c: {  	v12 =	vor.u32 $0x13, v33;
	v13 =	vor.u32 $0x14, v33;
	v40 =	vld.idx.msk [tilespmem:v15+s16+$0x0], $0xffff  }
0x9d: {  	v56 =	vmul.f32 v14, v55;
	v62 =	vmul.f32 v41, v61;
	v41 =	vld.idx.msk [tilespmem:v15+s17+$0x0], $0xffff;
	v3 =	vadd.f32 v9, v3  }
0x9e: {  	v59 =	vsub.f32 v36, v37;
	v63 =	vsub.f32 v42, v43;
	v42 =	vld.idx.msk [tilespmem:v16+s15+$0x0], $0xffff  }
0x9f: {  	v14 =	vor.u32 $0x12, v33;
	v43 =	vld.idx.msk [tilespmem:v16+s16+$0x0], $0xffff;
	v3 =	vadd.f32 v56, v3  }
0xa0: {  	v60 =	vmul.f32 v38, v59;
	v57 =	vld.idx.msk [tilespmem:v16+s17+$0x0], $0xffff  }
0xa1: {  	v1 =	vsub.f32 v48, v1;
	v17 =	vor.u32 $0xF, v33;
	v48 =	vld.idx.msk [tilespmem:v12+s17+$0x0], $0xffff;
	v3 =	vadd.f32 v58, v3  }
0xa2: {  	v4 =	vsub.f32 v4, v49;
	v49 =	vld.idx.msk [tilespmem:v13+s15+$0x0], $0xffff  }
0xa3: {  	v5 =	vld.idx.msk [tilespmem:v18+s15+$0x0], $0xffff;
	v3 =	vadd.f32 v60, v3  }
0xa4: {  	v1 =	vmul.f32 v2, v1;
	v2 =	vld.idx.msk [tilespmem:v14+s16+$0x0], $0xffff  }
0xa5: {  	v54 =	vmul.f32 v44, v63;
	v55 =	vsub.f32 v45, v46;
	v46 =	vld.idx.msk [tilespmem:v14+s17+$0x0], $0xffff;
	v3 =	vadd.f32 v62, v3  }
0xa6: {  	v36 =	vld.idx.msk [tilespmem:v17+s15+$0x0], $0xffff  }
0xa7: {  	v37 =	vld.idx.msk [tilespmem:v17+s16+$0x0], $0xffff;
	v56 =	vmul.f32 v47, v55;
	v3 =	vadd.f32 v54, v3  }
0xa8: {  	v11 =	vor.u32 $0x15, v33;
	v38 =	vld.idx.msk [tilespmem:v17+s17+$0x0], $0xffff  }
0xa9: {  	v9 =	vor.u32 $0x16, v33;
	v47 =	vld.idx.msk [tilespmem:v12+s16+$0x0], $0xffff;
	v3 =	vadd.f32 v56, v3  }
0xaa: {  	v5 =	vsub.f32 v5, v50;
	v50 =	vld.idx.msk [tilespmem:v13+s16+$0x0], $0xffff  }
0xab: {  	v4 =	vmul.f32 v6, v4;
	v59 =	vsub.f32 v7, v8;
	v58 =	vld.idx.msk [tilespmem:v14+s15+$0x0], $0xffff;
	v1 =	vadd.f32 v1, v3  }
0xac: {  	v6 =	vor.u32 $0x19, v33;
	v61 =	vmul.f32 v51, v5;
	v51 =	vld.idx.msk [tilespmem:v13+s17+$0x0], $0xffff  }
0xad: {  	v60 =	vmul.f32 v10, v59;
	v8 =	vsub.f32 v36, v37;
	v36 =	vld.idx.msk [tilespmem:v11+s17+$0x0], $0xffff;
	v1 =	vadd.f32 v4, v1  }
0xae: {  	v10 =	vor.u32 $0x17, v33;
	v37 =	vld.idx.msk [tilespmem:v9+s16+$0x0], $0xffff  }
0xaf: {  	v62 =	vsub.f32 v52, v53;
	v52 =	vld.idx.msk [tilespmem:v11+s15+$0x0], $0xffff;
	v1 =	vadd.f32 v60, v1  }
0xb0: {  	v5 =	vmul.f32 v38, v8;
	v38 =	vld.idx.msk [tilespmem:v9+s17+$0x0], $0xffff  }
0xb1: {  	v63 =	vmul.f32 v23, v62;
	v23 =	vld.idx.msk [tilespmem:v11+s16+$0x0], $0xffff;
	v1 =	vadd.f32 v61, v1  }
0xb2: {  	v8 =	vor.u32 $0x18, v33;
	v62 =	vld.idx.msk [tilespmem:v6+s16+$0x0], $0xffff  }
0xb3: {  	v40 =	vsub.f32 v39, v40;
	v39 =	vld.idx.msk [tilespmem:v10+s15+$0x0], $0xffff;
	v1 =	vadd.f32 v63, v1  }
0xb4: {  	v7 =	vor.u32 $0x1A, v33;
	v54 =	vsub.f32 v42, v43;
	v3 =	vld.idx.msk [tilespmem:v12+s15+$0x0], $0xffff  }
0xb5: {  	v53 =	vmul.f32 v41, v40;
	v55 =	vld.idx.msk [tilespmem:v10+s16+$0x0], $0xffff;
	v1 =	vadd.f32 v5, v1  }
0xb6: {  	v56 =	vmul.f32 v57, v54;
	v57 =	vld.idx.msk [tilespmem:v10+s17+$0x0], $0xffff  }
0xb7: {  	v2 =	vsub.f32 v58, v2;
	v58 =	vld.idx.msk [tilespmem:v8+s15+$0x0], $0xffff;
	v1 =	vadd.f32 v53, v1  }
0xb8: {  	v59 =	vld.idx.msk [tilespmem:v8+s16+$0x0], $0xffff;
	v23 =	vsub.f32 v52, v23  }
0xb9: {  	v2 =	vmul.f32 v46, v2;
	v52 =	vld.idx.msk [tilespmem:v7+s15+$0x0], $0xffff;
	v3 =	vsub.f32 v3, v47;
	v1 =	vadd.f32 v56, v1  }
0xba: {  	v4 =	vld.idx.msk [tilespmem:v9+s15+$0x0], $0xffff;
	v5 =	vor.u32 $0x1B, v33  }
0xbb: {  	v60 =	vld.idx.msk [tilespmem:v8+s17+$0x0], $0xffff;
	v1 =	vadd.f32 v2, v1;
	v2 =	vmul.f32 v48, v3;
	v3 =	vsub.f32 v49, v50  }
0xbc: {  	v61 =	vld.idx.msk [tilespmem:v6+s15+$0x0], $0xffff  }
0xbd: {  	v63 =	vld.idx.msk [tilespmem:v6+s17+$0x0], $0xffff;
	v1 =	vadd.f32 v2, v1;
	v2 =	vmul.f32 v51, v3  }
0xbe: {  	v53 =	vld.idx.msk [tilespmem:v7+s16+$0x0], $0xffff;
	v3 =	vor.u32 $0x1C, v33  }
0xbf: {  	v4 =	vsub.f32 v4, v37;
	v54 =	vld.idx.msk [tilespmem:v5+s16+$0x0], $0xffff;
	v1 =	vadd.f32 v2, v1;
	v2 =	vmul.f32 v36, v23  }
0xc0: {  	v55 =	vsub.f32 v39, v55;
	v39 =	vld.idx.msk [tilespmem:v5+s17+$0x0], $0xffff  }
0xc1: {  	v23 =	vld.idx.msk [tilespmem:v7+s17+$0x0], $0xffff;
	v1 =	vadd.f32 v2, v1;
	v2 =	vmul.f32 v38, v4;
	v4 =	vor.u32 $0x1D, v33  }
0xc2: {  	v36 =	vld.idx.msk [tilespmem:v5+s15+$0x0], $0xffff  }
0xc3: {  	v38 =	vmul.f32 v57, v55;
	v56 =	vld.idx.msk [tilespmem:v3+s15+$0x0], $0xffff  }
0xc4: {  	v57 =	vsub.f32 v58, v59;
	v58 =	vld.idx.msk [tilespmem:v3+s16+$0x0], $0xffff;
	v1 =	vadd.f32 v2, v1;
	v2 =	vor.u32 $0x1E, v33  }
0xc5: {  	v43 =	vld.idx.msk [tilespmem:v3+s17+$0x0], $0xffff  }
0xc6: {  	v59 =	vsub.f32 v61, v62;
	v41 =	vmul.f32 v60, v57;
	v38 =	vadd.f32 v38, v1;
	v60 =	vld.idx.msk [tilespmem:v4+s15+$0x0], $0xffff  }
0xc7: {  	v1 =	vor.u32 $0x1F, v33;
	v61 =	vld.idx.msk [tilespmem:v4+s16+$0x0], $0xffff  }
0xc8: {  	v62 =	vmul.f32 v63, v59;
	v63 =	vsub.f32 v52, v53;
	v52 =	vld.idx.msk [tilespmem:v4+s17+$0x0], $0xffff;
	v38 =	vadd.f32 v41, v38  }
0xc9: {  	v53 =	vld.idx.msk [tilespmem:v2+s15+$0x0], $0xffff  }
0xca: {  	v36 =	vsub.f32 v36, v54;
	v23 =	vmul.f32 v23, v63;
	v54 =	vld.idx.msk [tilespmem:v2+s16+$0x0], $0xffff;
	v38 =	vadd.f32 v62, v38  }
0xcb: {  	v55 =	vld.idx.msk [tilespmem:v2+s17+$0x0], $0xffff  }
0xcc: {  	v36 =	vmul.f32 v39, v36;
	v56 =	vsub.f32 v56, v58;
	v57 =	vld.idx.msk [tilespmem:v1+s15+$0x0], $0xffff;
	v23 =	vadd.f32 v23, v38  }
0xcd: {  	v58 =	vld.idx.msk [tilespmem:v1+s16+$0x0], $0xffff  }
0xce: {  	v59 =	vmul.f32 v43, v56;
	v60 =	vsub.f32 v60, v61;
	v23 =	vadd.f32 v36, v23  }
0xcf: {  	v61 =	vld.idx.msk [tilespmem:v1+s17+$0x0], $0xffff  }
0xd0: {  	v62 =	vmul.f32 v52, v60;
	v37 =	vsub.f32 v53, v54;
	v23 =	vadd.f32 v59, v23;
	_ =	sdelay $0x1  }
0xd1: {  	v63 =	vmul.f32 v55, v37;
	v41 =	vsub.f32 v57, v58;
	v23 =	vadd.f32 v62, v23  }
0xd2: {  	v43 =	vld.idx.msk [tilespmem:v33+s18+$0x0], $0xffff  }
0xd3: {  	v44 =	vmul.f32 v61, v41;
	v23 =	vadd.f32 v63, v23;
	_ =	sdelay $0x1  }
0xd4: {  	v23 =	vadd.f32 v44, v23;
	_ =	sdelay $0x1  }
0xd5: {  	v35 =	vadd.f32 v43, v35;
	v34 =	vmul.f32 v23, v34;
	_ =	sdelay $0x1  }
0xd6: {  	v34 =	vsub.f32 v35, v34;
	_ =	sdelay $0x1  }
0xd7: {  	[tilespmem:v33+s28+$0x0] =	vst.idx.msk $0xffff, v34  }
0xd8: {  	v33 =	vld.idx.msk [tilespmem:v32+s15+$0x0], $0xffff  }
0xd9: {  	v34 =	vld.idx.msk [tilespmem:v32+s16+$0x0], $0xffff  }
0xda: {  	v45 =	vld.idx.msk [tilespmem:v32+s17+$0x0], $0xffff  }
0xdb: {  	v46 =	vld.idx.msk [tilespmem:v32+s18+$0x0], $0xffff;
	_ =	sdelay $0x2  }
0xdc: {  	v33 =	vsub.f32 v33, v34;
	_ =	sdelay $0x1  }
0xdd: {  	v47 =	vmul.f32 v45, v23;
	v33 =	vadd.f32 v46, v33;
	_ =	sdelay $0x1  }
0xde: {  	v33 =	vsub.f32 v33, v47;
	_ =	sdelay $0x1  }
0xdf: {  	[tilespmem:v32+s28+$0x0] =	vst.idx.msk $0xffff, v33  }
0xe0: {  	v32 =	vld.idx.msk [tilespmem:v31+s15+$0x0], $0xffff  }
0xe1: {  	v33 =	vld.idx.msk [tilespmem:v31+s16+$0x0], $0xffff  }
0xe2: {  	v48 =	vld.idx.msk [tilespmem:v31+s17+$0x0], $0xffff  }
0xe3: {  	v49 =	vld.idx.msk [tilespmem:v31+s18+$0x0], $0xffff;
	_ =	sdelay $0x2  }
0xe4: {  	v32 =	vsub.f32 v32, v33;
	_ =	sdelay $0x1  }
0xe5: {  	v50 =	vmul.f32 v48, v23;
	v32 =	vadd.f32 v49, v32;
	_ =	sdelay $0x1  }
0xe6: {  	v32 =	vsub.f32 v32, v50;
	_ =	sdelay $0x1  }
0xe7: {  	[tilespmem:v31+s28+$0x0] =	vst.idx.msk $0xffff, v32  }
0xe8: {  	v31 =	vld.idx.msk [tilespmem:v30+s15+$0x0], $0xffff  }
0xe9: {  	v32 =	vld.idx.msk [tilespmem:v30+s16+$0x0], $0xffff  }
0xea: {  	v51 =	vld.idx.msk [tilespmem:v30+s17+$0x0], $0xffff  }
0xeb: {  	v52 =	vld.idx.msk [tilespmem:v30+s18+$0x0], $0xffff;
	_ =	sdelay $0x2  }
0xec: {  	v31 =	vsub.f32 v31, v32;
	_ =	sdelay $0x1  }
0xed: {  	v53 =	vmul.f32 v51, v23;
	v31 =	vadd.f32 v52, v31;
	_ =	sdelay $0x1  }
0xee: {  	v31 =	vsub.f32 v31, v53;
	_ =	sdelay $0x1  }
0xef: {  	[tilespmem:v30+s28+$0x0] =	vst.idx.msk $0xffff, v31  }
0xf0: {  	v30 =	vld.idx.msk [tilespmem:v29+s15+$0x0], $0xffff  }
0xf1: {  	v31 =	vld.idx.msk [tilespmem:v29+s16+$0x0], $0xffff  }
0xf2: {  	v54 =	vld.idx.msk [tilespmem:v29+s17+$0x0], $0xffff  }
0xf3: {  	v55 =	vld.idx.msk [tilespmem:v29+s18+$0x0], $0xffff;
	_ =	sdelay $0x2  }
0xf4: {  	v30 =	vsub.f32 v30, v31;
	_ =	sdelay $0x1  }
0xf5: {  	v56 =	vmul.f32 v54, v23;
	v30 =	vadd.f32 v55, v30;
	_ =	sdelay $0x1  }
0xf6: {  	v30 =	vsub.f32 v30, v56;
	_ =	sdelay $0x1  }
0xf7: {  	[tilespmem:v29+s28+$0x0] =	vst.idx.msk $0xffff, v30  }
0xf8: {  	v29 =	vld.idx.msk [tilespmem:v28+s15+$0x0], $0xffff  }
0xf9: {  	v30 =	vld.idx.msk [tilespmem:v28+s16+$0x0], $0xffff  }
0xfa: {  	v57 =	vld.idx.msk [tilespmem:v28+s17+$0x0], $0xffff  }
0xfb: {  	v58 =	vld.idx.msk [tilespmem:v28+s18+$0x0], $0xffff;
	_ =	sdelay $0x2  }
0xfc: {  	v29 =	vsub.f32 v29, v30;
	_ =	sdelay $0x1  }
0xfd: {  	v59 =	vmul.f32 v57, v23;
	v29 =	vadd.f32 v58, v29;
	_ =	sdelay $0x1  }
0xfe: {  	v29 =	vsub.f32 v29, v59;
	_ =	sdelay $0x1  }
0xff: {  	[tilespmem:v28+s28+$0x0] =	vst.idx.msk $0xffff, v29  }
0x100: {  	v28 =	vld.idx.msk [tilespmem:v27+s15+$0x0], $0xffff  }
0x101: {  	v29 =	vld.idx.msk [tilespmem:v27+s16+$0x0], $0xffff  }
0x102: {  	v60 =	vld.idx.msk [tilespmem:v27+s17+$0x0], $0xffff  }
0x103: {  	v61 =	vld.idx.msk [tilespmem:v27+s18+$0x0], $0xffff;
	_ =	sdelay $0x2  }
0x104: {  	v28 =	vsub.f32 v28, v29;
	_ =	sdelay $0x1  }
0x105: {  	v62 =	vmul.f32 v60, v23;
	v28 =	vadd.f32 v61, v28;
	_ =	sdelay $0x1  }
0x106: {  	v28 =	vsub.f32 v28, v62;
	_ =	sdelay $0x1  }
0x107: {  	[tilespmem:v27+s28+$0x0] =	vst.idx.msk $0xffff, v28  }
0x108: {  	v27 =	vld.idx.msk [tilespmem:v26+s15+$0x0], $0xffff  }
0x109: {  	v28 =	vld.idx.msk [tilespmem:v26+s16+$0x0], $0xffff  }
0x10a: {  	v63 =	vld.idx.msk [tilespmem:v26+s17+$0x0], $0xffff  }
0x10b: {  	v33 =	vld.idx.msk [tilespmem:v26+s18+$0x0], $0xffff;
	_ =	sdelay $0x2  }
0x10c: {  	v27 =	vsub.f32 v27, v28;
	_ =	sdelay $0x1  }
0x10d: {  	v34 =	vmul.f32 v63, v23;
	v27 =	vadd.f32 v33, v27;
	_ =	sdelay $0x1  }
0x10e: {  	v27 =	vsub.f32 v27, v34;
	_ =	sdelay $0x1  }
0x10f: {  	[tilespmem:v26+s28+$0x0] =	vst.idx.msk $0xffff, v27  }
0x110: {  	v26 =	vld.idx.msk [tilespmem:v25+s15+$0x0], $0xffff  }
0x111: {  	v27 =	vld.idx.msk [tilespmem:v25+s16+$0x0], $0xffff  }
0x112: {  	v35 =	vld.idx.msk [tilespmem:v25+s17+$0x0], $0xffff  }
0x113: {  	v36 =	vld.idx.msk [tilespmem:v25+s18+$0x0], $0xffff;
	_ =	sdelay $0x2  }
0x114: {  	v26 =	vsub.f32 v26, v27;
	_ =	sdelay $0x1  }
0x115: {  	v37 =	vmul.f32 v35, v23;
	v26 =	vadd.f32 v36, v26;
	_ =	sdelay $0x1  }
0x116: {  	v26 =	vsub.f32 v26, v37;
	_ =	sdelay $0x1  }
0x117: {  	[tilespmem:v25+s28+$0x0] =	vst.idx.msk $0xffff, v26  }
0x118: {  	v25 =	vld.idx.msk [tilespmem:v24+s15+$0x0], $0xffff  }
0x119: {  	v26 =	vld.idx.msk [tilespmem:v24+s16+$0x0], $0xffff  }
0x11a: {  	v38 =	vld.idx.msk [tilespmem:v24+s17+$0x0], $0xffff  }
0x11b: {  	v39 =	vld.idx.msk [tilespmem:v24+s18+$0x0], $0xffff;
	_ =	sdelay $0x2  }
0x11c: {  	v25 =	vsub.f32 v25, v26;
	_ =	sdelay $0x1  }
0x11d: {  	v40 =	vmul.f32 v38, v23;
	v25 =	vadd.f32 v39, v25;
	_ =	sdelay $0x1  }
0x11e: {  	v25 =	vsub.f32 v25, v40;
	_ =	sdelay $0x1  }
0x11f: {  	[tilespmem:v24+s28+$0x0] =	vst.idx.msk $0xffff, v25  }
0x120: {  	v24 =	vld.idx.msk [tilespmem:v22+s15+$0x0], $0xffff  }
0x121: {  	v25 =	vld.idx.msk [tilespmem:v22+s16+$0x0], $0xffff  }
0x122: {  	v41 =	vld.idx.msk [tilespmem:v22+s17+$0x0], $0xffff  }
0x123: {  	v42 =	vld.idx.msk [tilespmem:v22+s18+$0x0], $0xffff;
	_ =	sdelay $0x2  }
0x124: {  	v24 =	vsub.f32 v24, v25;
	_ =	sdelay $0x1  }
0x125: {  	v43 =	vmul.f32 v41, v23;
	v24 =	vadd.f32 v42, v24;
	_ =	sdelay $0x1  }
0x126: {  	v24 =	vsub.f32 v24, v43;
	_ =	sdelay $0x1  }
0x127: {  	[tilespmem:v22+s28+$0x0] =	vst.idx.msk $0xffff, v24  }
0x128: {  	v22 =	vld.idx.msk [tilespmem:v21+s15+$0x0], $0xffff  }
0x129: {  	v24 =	vld.idx.msk [tilespmem:v21+s16+$0x0], $0xffff  }
0x12a: {  	v44 =	vld.idx.msk [tilespmem:v21+s17+$0x0], $0xffff  }
0x12b: {  	v45 =	vld.idx.msk [tilespmem:v21+s18+$0x0], $0xffff;
	_ =	sdelay $0x2  }
0x12c: {  	v22 =	vsub.f32 v22, v24;
	_ =	sdelay $0x1  }
0x12d: {  	v46 =	vmul.f32 v44, v23;
	v22 =	vadd.f32 v45, v22;
	_ =	sdelay $0x1  }
0x12e: {  	v22 =	vsub.f32 v22, v46;
	_ =	sdelay $0x1  }
0x12f: {  	[tilespmem:v21+s28+$0x0] =	vst.idx.msk $0xffff, v22  }
0x130: {  	v21 =	vld.idx.msk [tilespmem:v20+s15+$0x0], $0xffff  }
0x131: {  	v22 =	vld.idx.msk [tilespmem:v20+s16+$0x0], $0xffff  }
0x132: {  	v47 =	vld.idx.msk [tilespmem:v20+s17+$0x0], $0xffff  }
0x133: {  	v48 =	vld.idx.msk [tilespmem:v20+s18+$0x0], $0xffff;
	_ =	sdelay $0x2  }
0x134: {  	v21 =	vsub.f32 v21, v22;
	_ =	sdelay $0x1  }
0x135: {  	v49 =	vmul.f32 v47, v23;
	v21 =	vadd.f32 v48, v21;
	_ =	sdelay $0x1  }
0x136: {  	v21 =	vsub.f32 v21, v49;
	_ =	sdelay $0x1  }
0x137: {  	[tilespmem:v20+s28+$0x0] =	vst.idx.msk $0xffff, v21  }
0x138: {  	v20 =	vld.idx.msk [tilespmem:v18+s15+$0x0], $0xffff  }
0x139: {  	v21 =	vld.idx.msk [tilespmem:v18+s16+$0x0], $0xffff  }
0x13a: {  	v50 =	vld.idx.msk [tilespmem:v18+s17+$0x0], $0xffff  }
0x13b: {  	v51 =	vld.idx.msk [tilespmem:v18+s18+$0x0], $0xffff;
	_ =	sdelay $0x2  }
0x13c: {  	v20 =	vsub.f32 v20, v21;
	_ =	sdelay $0x1  }
0x13d: {  	v52 =	vmul.f32 v50, v23;
	v20 =	vadd.f32 v51, v20;
	_ =	sdelay $0x1  }
0x13e: {  	v20 =	vsub.f32 v20, v52;
	_ =	sdelay $0x1  }
0x13f: {  	[tilespmem:v18+s28+$0x0] =	vst.idx.msk $0xffff, v20  }
0x140: {  	v18 =	vld.idx.msk [tilespmem:v19+s15+$0x0], $0xffff  }
0x141: {  	v20 =	vld.idx.msk [tilespmem:v19+s16+$0x0], $0xffff  }
0x142: {  	v53 =	vld.idx.msk [tilespmem:v19+s17+$0x0], $0xffff  }
0x143: {  	v54 =	vld.idx.msk [tilespmem:v19+s18+$0x0], $0xffff;
	_ =	sdelay $0x2  }
0x144: {  	v18 =	vsub.f32 v18, v20;
	_ =	sdelay $0x1  }
0x145: {  	v55 =	vmul.f32 v53, v23;
	v18 =	vadd.f32 v54, v18;
	_ =	sdelay $0x1  }
0x146: {  	v18 =	vsub.f32 v18, v55;
	_ =	sdelay $0x1  }
0x147: {  	[tilespmem:v19+s28+$0x0] =	vst.idx.msk $0xffff, v18  }
0x148: {  	v18 =	vld.idx.msk [tilespmem:v17+s15+$0x0], $0xffff  }
0x149: {  	v19 =	vld.idx.msk [tilespmem:v17+s16+$0x0], $0xffff  }
0x14a: {  	v56 =	vld.idx.msk [tilespmem:v17+s17+$0x0], $0xffff  }
0x14b: {  	v57 =	vld.idx.msk [tilespmem:v17+s18+$0x0], $0xffff;
	_ =	sdelay $0x2  }
0x14c: {  	v18 =	vsub.f32 v18, v19;
	_ =	sdelay $0x1  }
0x14d: {  	v58 =	vmul.f32 v56, v23;
	v18 =	vadd.f32 v57, v18;
	_ =	sdelay $0x1  }
0x14e: {  	v18 =	vsub.f32 v18, v58;
	_ =	sdelay $0x1  }
0x14f: {  	[tilespmem:v17+s28+$0x0] =	vst.idx.msk $0xffff, v18  }
0x150: {  	v17 =	vld.idx.msk [tilespmem:v15+s15+$0x0], $0xffff  }
0x151: {  	v18 =	vld.idx.msk [tilespmem:v15+s16+$0x0], $0xffff  }
0x152: {  	v59 =	vld.idx.msk [tilespmem:v15+s17+$0x0], $0xffff  }
0x153: {  	v60 =	vld.idx.msk [tilespmem:v15+s18+$0x0], $0xffff;
	_ =	sdelay $0x2  }
0x154: {  	v17 =	vsub.f32 v17, v18;
	_ =	sdelay $0x1  }
0x155: {  	v61 =	vmul.f32 v59, v23;
	v17 =	vadd.f32 v60, v17;
	_ =	sdelay $0x1  }
0x156: {  	v17 =	vsub.f32 v17, v61;
	_ =	sdelay $0x1  }
0x157: {  	[tilespmem:v15+s28+$0x0] =	vst.idx.msk $0xffff, v17  }
0x158: {  	v15 =	vld.idx.msk [tilespmem:v16+s15+$0x0], $0xffff  }
0x159: {  	v17 =	vld.idx.msk [tilespmem:v16+s16+$0x0], $0xffff  }
0x15a: {  	v62 =	vld.idx.msk [tilespmem:v16+s17+$0x0], $0xffff  }
0x15b: {  	v63 =	vld.idx.msk [tilespmem:v16+s18+$0x0], $0xffff;
	_ =	sdelay $0x2  }
0x15c: {  	v15 =	vsub.f32 v15, v17;
	_ =	sdelay $0x1  }
0x15d: {  	v21 =	vmul.f32 v62, v23;
	v15 =	vadd.f32 v63, v15;
	_ =	sdelay $0x1  }
0x15e: {  	v15 =	vsub.f32 v15, v21;
	_ =	sdelay $0x1  }
0x15f: {  	[tilespmem:v16+s28+$0x0] =	vst.idx.msk $0xffff, v15  }
0x160: {  	v15 =	vld.idx.msk [tilespmem:v14+s15+$0x0], $0xffff  }
0x161: {  	v16 =	vld.idx.msk [tilespmem:v14+s16+$0x0], $0xffff  }
0x162: {  	v22 =	vld.idx.msk [tilespmem:v14+s17+$0x0], $0xffff  }
0x163: {  	v24 =	vld.idx.msk [tilespmem:v14+s18+$0x0], $0xffff;
	_ =	sdelay $0x2  }
0x164: {  	v15 =	vsub.f32 v15, v16;
	_ =	sdelay $0x1  }
0x165: {  	v25 =	vmul.f32 v22, v23;
	v15 =	vadd.f32 v24, v15;
	_ =	sdelay $0x1  }
0x166: {  	v15 =	vsub.f32 v15, v25;
	_ =	sdelay $0x1  }
0x167: {  	[tilespmem:v14+s28+$0x0] =	vst.idx.msk $0xffff, v15  }
0x168: {  	v14 =	vld.idx.msk [tilespmem:v12+s15+$0x0], $0xffff  }
0x169: {  	v15 =	vld.idx.msk [tilespmem:v12+s16+$0x0], $0xffff  }
0x16a: {  	v26 =	vld.idx.msk [tilespmem:v12+s17+$0x0], $0xffff  }
0x16b: {  	v27 =	vld.idx.msk [tilespmem:v12+s18+$0x0], $0xffff;
	_ =	sdelay $0x2  }
0x16c: {  	v14 =	vsub.f32 v14, v15;
	_ =	sdelay $0x1  }
0x16d: {  	v28 =	vmul.f32 v26, v23;
	v14 =	vadd.f32 v27, v14;
	_ =	sdelay $0x1  }
0x16e: {  	v14 =	vsub.f32 v14, v28;
	_ =	sdelay $0x1  }
0x16f: {  	[tilespmem:v12+s28+$0x0] =	vst.idx.msk $0xffff, v14  }
0x170: {  	v12 =	vld.idx.msk [tilespmem:v13+s15+$0x0], $0xffff  }
0x171: {  	v14 =	vld.idx.msk [tilespmem:v13+s16+$0x0], $0xffff  }
0x172: {  	v29 =	vld.idx.msk [tilespmem:v13+s17+$0x0], $0xffff  }
0x173: {  	v30 =	vld.idx.msk [tilespmem:v13+s18+$0x0], $0xffff;
	_ =	sdelay $0x2  }
0x174: {  	v12 =	vsub.f32 v12, v14;
	_ =	sdelay $0x1  }
0x175: {  	v31 =	vmul.f32 v29, v23;
	v12 =	vadd.f32 v30, v12;
	_ =	sdelay $0x1  }
0x176: {  	v12 =	vsub.f32 v12, v31;
	_ =	sdelay $0x1  }
0x177: {  	[tilespmem:v13+s28+$0x0] =	vst.idx.msk $0xffff, v12  }
0x178: {  	v12 =	vld.idx.msk [tilespmem:v11+s15+$0x0], $0xffff  }
0x179: {  	v13 =	vld.idx.msk [tilespmem:v11+s16+$0x0], $0xffff  }
0x17a: {  	v32 =	vld.idx.msk [tilespmem:v11+s17+$0x0], $0xffff  }
0x17b: {  	v33 =	vld.idx.msk [tilespmem:v11+s18+$0x0], $0xffff;
	_ =	sdelay $0x2  }
0x17c: {  	v12 =	vsub.f32 v12, v13;
	_ =	sdelay $0x1  }
0x17d: {  	v34 =	vmul.f32 v32, v23;
	v12 =	vadd.f32 v33, v12;
	_ =	sdelay $0x1  }
0x17e: {  	v12 =	vsub.f32 v12, v34;
	_ =	sdelay $0x1  }
0x17f: {  	[tilespmem:v11+s28+$0x0] =	vst.idx.msk $0xffff, v12  }
0x180: {  	v11 =	vld.idx.msk [tilespmem:v9+s15+$0x0], $0xffff  }
0x181: {  	v12 =	vld.idx.msk [tilespmem:v9+s16+$0x0], $0xffff  }
0x182: {  	v35 =	vld.idx.msk [tilespmem:v9+s17+$0x0], $0xffff  }
0x183: {  	v36 =	vld.idx.msk [tilespmem:v9+s18+$0x0], $0xffff;
	_ =	sdelay $0x2  }
0x184: {  	v11 =	vsub.f32 v11, v12;
	_ =	sdelay $0x1  }
0x185: {  	v37 =	vmul.f32 v35, v23;
	v11 =	vadd.f32 v36, v11;
	_ =	sdelay $0x1  }
0x186: {  	v11 =	vsub.f32 v11, v37;
	_ =	sdelay $0x1  }
0x187: {  	[tilespmem:v9+s28+$0x0] =	vst.idx.msk $0xffff, v11  }
0x188: {  	v9 =	vld.idx.msk [tilespmem:v10+s15+$0x0], $0xffff  }
0x189: {  	v11 =	vld.idx.msk [tilespmem:v10+s16+$0x0], $0xffff  }
0x18a: {  	v38 =	vld.idx.msk [tilespmem:v10+s17+$0x0], $0xffff  }
0x18b: {  	v39 =	vld.idx.msk [tilespmem:v10+s18+$0x0], $0xffff;
	_ =	sdelay $0x2  }
0x18c: {  	v9 =	vsub.f32 v9, v11;
	_ =	sdelay $0x1  }
0x18d: {  	v40 =	vmul.f32 v38, v23;
	v9 =	vadd.f32 v39, v9;
	_ =	sdelay $0x1  }
0x18e: {  	v9 =	vsub.f32 v9, v40;
	_ =	sdelay $0x1  }
0x18f: {  	[tilespmem:v10+s28+$0x0] =	vst.idx.msk $0xffff, v9  }
0x190: {  	v9 =	vld.idx.msk [tilespmem:v8+s15+$0x0], $0xffff  }
0x191: {  	v10 =	vld.idx.msk [tilespmem:v8+s16+$0x0], $0xffff  }
0x192: {  	v41 =	vld.idx.msk [tilespmem:v8+s17+$0x0], $0xffff  }
0x193: {  	v42 =	vld.idx.msk [tilespmem:v8+s18+$0x0], $0xffff;
	_ =	sdelay $0x2  }
0x194: {  	v9 =	vsub.f32 v9, v10;
	_ =	sdelay $0x1  }
0x195: {  	v43 =	vmul.f32 v41, v23;
	v9 =	vadd.f32 v42, v9;
	_ =	sdelay $0x1  }
0x196: {  	v9 =	vsub.f32 v9, v43;
	_ =	sdelay $0x1  }
0x197: {  	[tilespmem:v8+s28+$0x0] =	vst.idx.msk $0xffff, v9  }
0x198: {  	v8 =	vld.idx.msk [tilespmem:v6+s15+$0x0], $0xffff  }
0x199: {  	v9 =	vld.idx.msk [tilespmem:v6+s16+$0x0], $0xffff  }
0x19a: {  	v44 =	vld.idx.msk [tilespmem:v6+s17+$0x0], $0xffff  }
0x19b: {  	v45 =	vld.idx.msk [tilespmem:v6+s18+$0x0], $0xffff;
	_ =	sdelay $0x2  }
0x19c: {  	v8 =	vsub.f32 v8, v9;
	_ =	sdelay $0x1  }
0x19d: {  	v46 =	vmul.f32 v44, v23;
	v8 =	vadd.f32 v45, v8;
	_ =	sdelay $0x1  }
0x19e: {  	v8 =	vsub.f32 v8, v46;
	_ =	sdelay $0x1  }
0x19f: {  	[tilespmem:v6+s28+$0x0] =	vst.idx.msk $0xffff, v8  }
0x1a0: {  	v6 =	vld.idx.msk [tilespmem:v7+s15+$0x0], $0xffff  }
0x1a1: {  	v8 =	vld.idx.msk [tilespmem:v7+s16+$0x0], $0xffff  }
0x1a2: {  	v47 =	vld.idx.msk [tilespmem:v7+s17+$0x0], $0xffff  }
0x1a3: {  	v48 =	vld.idx.msk [tilespmem:v7+s18+$0x0], $0xffff;
	_ =	sdelay $0x2  }
0x1a4: {  	v6 =	vsub.f32 v6, v8;
	_ =	sdelay $0x1  }
0x1a5: {  	v49 =	vmul.f32 v47, v23;
	v6 =	vadd.f32 v48, v6;
	_ =	sdelay $0x1  }
0x1a6: {  	v6 =	vsub.f32 v6, v49;
	_ =	sdelay $0x1  }
0x1a7: {  	[tilespmem:v7+s28+$0x0] =	vst.idx.msk $0xffff, v6  }
0x1a8: {  	v6 =	vld.idx.msk [tilespmem:v5+s15+$0x0], $0xffff  }
0x1a9: {  	v7 =	vld.idx.msk [tilespmem:v5+s16+$0x0], $0xffff  }
0x1aa: {  	v50 =	vld.idx.msk [tilespmem:v5+s17+$0x0], $0xffff  }
0x1ab: {  	v51 =	vld.idx.msk [tilespmem:v5+s18+$0x0], $0xffff;
	_ =	sdelay $0x2  }
0x1ac: {  	v6 =	vsub.f32 v6, v7;
	_ =	sdelay $0x1  }
0x1ad: {  	v52 =	vmul.f32 v50, v23;
	v6 =	vadd.f32 v51, v6;
	_ =	sdelay $0x1  }
0x1ae: {  	v6 =	vsub.f32 v6, v52;
	_ =	sdelay $0x1  }
0x1af: {  	[tilespmem:v5+s28+$0x0] =	vst.idx.msk $0xffff, v6  }
0x1b0: {  	v5 =	vld.idx.msk [tilespmem:v3+s15+$0x0], $0xffff  }
0x1b1: {  	v6 =	vld.idx.msk [tilespmem:v3+s16+$0x0], $0xffff  }
0x1b2: {  	v53 =	vld.idx.msk [tilespmem:v3+s17+$0x0], $0xffff  }
0x1b3: {  	v54 =	vld.idx.msk [tilespmem:v3+s18+$0x0], $0xffff;
	_ =	sdelay $0x2  }
0x1b4: {  	v5 =	vsub.f32 v5, v6;
	_ =	sdelay $0x1  }
0x1b5: {  	v55 =	vmul.f32 v53, v23;
	v5 =	vadd.f32 v54, v5;
	_ =	sdelay $0x1  }
0x1b6: {  	v5 =	vsub.f32 v5, v55;
	_ =	sdelay $0x1  }
0x1b7: {  	[tilespmem:v3+s28+$0x0] =	vst.idx.msk $0xffff, v5  }
0x1b8: {  	v3 =	vld.idx.msk [tilespmem:v4+s15+$0x0], $0xffff  }
0x1b9: {  	v5 =	vld.idx.msk [tilespmem:v4+s16+$0x0], $0xffff  }
0x1ba: {  	v56 =	vld.idx.msk [tilespmem:v4+s17+$0x0], $0xffff  }
0x1bb: {  	v57 =	vld.idx.msk [tilespmem:v4+s18+$0x0], $0xffff;
	_ =	sdelay $0x2  }
0x1bc: {  	v3 =	vsub.f32 v3, v5;
	_ =	sdelay $0x1  }
0x1bd: {  	v58 =	vmul.f32 v56, v23;
	v3 =	vadd.f32 v57, v3;
	_ =	sdelay $0x1  }
0x1be: {  	v3 =	vsub.f32 v3, v58;
	_ =	sdelay $0x1  }
0x1bf: {  	[tilespmem:v4+s28+$0x0] =	vst.idx.msk $0xffff, v3  }
0x1c0: {  	v3 =	vld.idx.msk [tilespmem:v2+s15+$0x0], $0xffff  }
0x1c1: {  	v4 =	vld.idx.msk [tilespmem:v2+s16+$0x0], $0xffff  }
0x1c2: {  	v59 =	vld.idx.msk [tilespmem:v2+s17+$0x0], $0xffff  }
0x1c3: {  	v60 =	vld.idx.msk [tilespmem:v2+s18+$0x0], $0xffff;
	_ =	sdelay $0x2  }
0x1c4: {  	v3 =	vsub.f32 v3, v4;
	_ =	sdelay $0x1  }
0x1c5: {  	v61 =	vmul.f32 v59, v23;
	v3 =	vadd.f32 v60, v3;
	_ =	sdelay $0x1  }
0x1c6: {  	v3 =	vsub.f32 v3, v61;
	_ =	sdelay $0x1  }
0x1c7: {  	[tilespmem:v2+s28+$0x0] =	vst.idx.msk $0xffff, v3  }
0x1c8: {  	v2 =	vld.idx.msk [tilespmem:v1+s15+$0x0], $0xffff  }
0x1c9: {  	v3 =	vld.idx.msk [tilespmem:v1+s16+$0x0], $0xffff  }
0x1ca: {  	v62 =	vld.idx.msk [tilespmem:v1+s17+$0x0], $0xffff  }
0x1cb: {  	v63 =	vld.idx.msk [tilespmem:v1+s18+$0x0], $0xffff;
	_ =	sdelay $0x2  }
0x1cc: {  	v2 =	vsub.f32 v2, v3  }
0x1cd: {  	p0 =	sne.s32 s31, $0x1F0  }
.Ltmp0:
0x1ce: {  	v3 =	vmul.f32 v62, v23;
	v2 =	vadd.f32 v63, v2;
	(pc) =	sbr.rel @p0 .LBB2_2-.Ltmp0, $3  }
0x1cf: {  	_ = 	snop  }
0x1d0: {  	v2 =	vsub.f32 v2, v3;
	_ =	sdelay $0x1  }
0x1d1: {  	s31 =	sadd.s32 $0x10, s31;
	[tilespmem:v1+s28+$0x0] =	vst.idx.msk $0xffff, v2  }
0x1d2: {  	s29 =	sadd.s32 $0x1, s29  }
0x1d3: {  	p0 =	sne.s32 s29, s10  }
.Ltmp1:
0x1d4: {  	_ = 	snop;
	(pc) =	sbr.rel @p0 .LBB2_1-.Ltmp1, $4  }
0x1d5: {  	[hbm4b:s9+s2] =	stream.linear.scatter [tilespmem:s28], [sflag:$0x2], $0x4000, $0x38;
	[tilespmem:$0x14600] =	vst v63  }
0x1d6: {  	_ =	swait.ge [sflag:s11], $0x4000  }
0x1d7: {  	[sflag:s11] =	ssyncset.done $0x0  }
0x1d8: {  	[sflag:s11] =	ssyncadd.s32 $0xFFFFC000  }
0x1d9: {  	_ =	sfence.sel $0x180000  }
0x1da: {  	[bflag:$0x0] =	sbarrier.arrive $0xFFFF  }
0x1db: {  	_ =	strace $0x90000047  }
0x1dc: {  	s0 =	stileid.u32;
	[bflag:$0x2] =	sbarrier.arrive $0xFFFF  }
0x1dd: {  	p0 =	sne.s32 s0, $0x0;
	s0 =	rddreg [dreg:$0x2]  }
0x1de: {  	s0 =	sadd.s32 @!p0 $0x100000, s0  }
0x1df: {  	[sflag:s0] =	ssyncadd.tile.s32 @!p0 $0x1;
	_ =	shalt  }
.Lfunc_end2:
_tile_overlayer_lowered:
.L_overlay_start_2:
0x1e0: {  	(tag) =	ssettag $0x2  }
0x1e1: {  	s0 =	rddreg [dreg:$0x0];
	s2 =	stileid.u32  }
0x1e2: {  	s1 =	rddreg [dreg:$0x1];
	p0 =	sne.s32 s2, $0x0  }
0x1e3: {  	s3 =	rddreg [dreg:$0x2];
	[bflag:$0x3] =	sbarrier.arrive $0xFFFF;
	s2 =	simm.s32 @!p0 $0x1C02  }
0x1e4: {  	[timem:s3], [sflag:s2] =	dma.local @!p0 [hbm:s0], s1  }
0x1e5: {  	s0 =	simm.s32 @!p0 $0x2  }
0x1e6: {  	_ =	swait.ge @!p0 [sflag:s0], s1  }
0x1e7: {  	s1 =	ssub.s32 @!p0 $0x0, s1;
	[sflag:s0] =	ssyncset.done @!p0 $0x0  }
0x1e8: {  	[sflag:s0] =	ssyncadd.s32 @!p0 s1  }
0x1e9: {  	[bflag:$0x3] =	sbarrier.arrive $0xFFFF  }
0x1ea: {  	_ =	shalt  }

</sc_bundles>
